<compile_context>
chip_gen: v7x
topology: tpu7x:2x2x1
jax: 0.10.2.dev20260603
libtpu: 0.0.44.dev20260713+nightly
codegen_flags: <defaults>
</compile_context>

<pallas_src>
import functools

import jax
import jax.numpy as jnp
from jax import lax
from jax.experimental import pallas as pl
from jax.experimental.pallas import tpu as pltpu
from jax.experimental.pallas import tpu_sc as plsc

N_NODES = 10000
D = 128
NC = 2
NS = 16
NW = NC * NS
CHUNK = 128
NP = 10240
PAD = N_NODES
ROWS_PER_TILE = NP // NS

_mesh = plsc.VectorSubcoreMesh(core_axis_name="c", subcore_axis_name="s")


def _num_chunks(num_edges):
    return -(-num_edges // (NW * CHUNK))


def _make_deg_kernel(chunks):
    @functools.partial(
        pl.kernel,
        out_type=jax.ShapeDtypeStruct((NC * NP,), jnp.float32),
        mesh=_mesh,
        scratch_types=[
            pltpu.VMEM_SHARED((NP,), jnp.float32),
            pltpu.VMEM((2, CHUNK), jnp.int32),
            pltpu.VMEM((CHUNK,), jnp.float32),
        ],
    )
    def deg_kernel(eidx_hbm, zeros_hbm, out_hbm, acc, idx_v, ones_v):
        c = lax.axis_index("c")
        s = lax.axis_index("s")
        w = c * NS + s
        pltpu.sync_copy(zeros_hbm, acc.at[pl.ds(s * ROWS_PER_TILE, ROWS_PER_TILE)])
        for j in range(CHUNK // 16):
            ones_v[pl.ds(j * 16, 16)] = jnp.ones((16,), jnp.float32)
        plsc.subcore_barrier()

        def body(ch, carry):
            pltpu.sync_copy(eidx_hbm.at[w * chunks + ch], idx_v)
            pltpu.sync_copy(ones_v, acc.at[idx_v.at[1]], add=True)
            return carry

        lax.fori_loop(0, chunks, body, 0)
        plsc.subcore_barrier()
        row0 = s * ROWS_PER_TILE
        pltpu.sync_copy(acc.at[pl.ds(row0, ROWS_PER_TILE)],
                        out_hbm.at[pl.ds(c * NP + row0, ROWS_PER_TILE)])

    return deg_kernel


def _make_msg_kernel(chunks0, chunks1):
    @functools.partial(
        pl.kernel,
        out_type=jax.ShapeDtypeStruct((NC * NP, D), jnp.float32),
        mesh=_mesh,
        scratch_types=[
            pltpu.VMEM_SHARED((NP, D), jnp.float32),
            pltpu.VMEM((2, CHUNK), jnp.int32),
            pltpu.VMEM((CHUNK, D), jnp.float32),
            pltpu.SemaphoreType.DMA,
        ],
    )
    def msg_kernel(eidx_hbm, y_hbm, zeros_hbm, out_hbm, acc, idx_v,
                   rows_v, sem):
        c = lax.axis_index("c")
        s = lax.axis_index("s")
        tile_chunk0 = jnp.where(c == 0, s * chunks0,
                                NS * chunks0 + s * chunks1)
        nchunks = jnp.where(c == 0, chunks0, chunks1)
        pltpu.sync_copy(zeros_hbm, acc.at[pl.ds(s * ROWS_PER_TILE, ROWS_PER_TILE)])
        plsc.subcore_barrier()

        def body(ch, carry):
            pltpu.sync_copy(eidx_hbm.at[tile_chunk0 + ch], idx_v)
            pltpu.async_copy(y_hbm.at[idx_v.at[0]], rows_v, sem).wait()
            pltpu.sync_copy(rows_v, acc.at[idx_v.at[1]], add=True)
            return carry

        lax.fori_loop(0, nchunks, body, 0)
        plsc.subcore_barrier()
        row0 = s * ROWS_PER_TILE
        pltpu.sync_copy(acc.at[pl.ds(row0, ROWS_PER_TILE)],
                        out_hbm.at[pl.ds(c * NP + row0, ROWS_PER_TILE)])

    return msg_kernel


_BLK = 2048
_GRID = NP // _BLK


def _mm_body(x_ref, w_ref, o_ref):
    o_ref[...] = jnp.dot(x_ref[...], w_ref[...],
                         preferred_element_type=jnp.float32)


def _scale_body(xw_ref, d_ref, y_ref):
    deg = d_ref[0] + d_ref[1] + 1.0
    y_ref[...] = xw_ref[...] * lax.rsqrt(deg)


_OBLK = 2000
_OGRID = N_NODES // _OBLK


def _stats_body(m_ref, d_ref, y_ref, b_ref, t_ref, s_ref, q_ref):
    i = pl.program_id(0)
    deg = d_ref[0] + d_ref[1] + 1.0
    dis = lax.rsqrt(deg)
    t = dis * (m_ref[0] + m_ref[1] + y_ref[...]) + b_ref[...]
    t_ref[...] = t
    s_part = jnp.sum(t.reshape(_OBLK // 8, 8, D), axis=0)
    q_part = jnp.sum((t * t).reshape(_OBLK // 8, 8, D), axis=0)

    @pl.when(i == 0)
    def _():
        s_ref[...] = s_part
        q_ref[...] = q_part

    @pl.when(i != 0)
    def _():
        s_ref[...] += s_part
        q_ref[...] += q_part


def _norm_body(t_ref, s_ref, q_ref, gw_ref, gb_ref, gm_ref, o_ref):
    n = jnp.float32(N_NODES)
    mean = jnp.sum(s_ref[...], axis=0, keepdims=True) / n
    msq = jnp.sum(q_ref[...], axis=0, keepdims=True) / n
    g = gm_ref[...]
    var = msq - (2.0 * g - g * g) * mean * mean
    shifted = t_ref[...] - g * mean
    out = gw_ref[...] * shifted * lax.rsqrt(var + 1e-5) + gb_ref[...]
    o_ref[...] = jnp.where(out >= 0, out, 0.01 * out)


def kernel(x, edge_index, W, b, gn_weight, gn_bias, gn_mean_scale):
    f32 = jnp.float32
    ei = edge_index.astype(jnp.int32)
    n_edges = ei.shape[1]
    chunks = _num_chunks(n_edges)
    ep = NW * chunks * CHUNK
    pad_idx = jnp.full((2, ep - n_edges), PAD, jnp.int32)
    eidx = jnp.concatenate([ei, pad_idx], axis=1).reshape(
        2, ep // CHUNK, CHUNK).transpose(1, 0, 2)
    eidx = jnp.pad(eidx, ((0, 1), (0, 0), (0, 0)))

    x_pad = jnp.pad(x, ((0, NP - N_NODES), (0, 0)))
    zeros1 = jnp.zeros((ROWS_PER_TILE,), f32)
    zerosD = jnp.zeros((ROWS_PER_TILE, D), f32)

    xw = pl.pallas_call(
        _mm_body,
        grid=(_GRID,),
        in_specs=[pl.BlockSpec((_BLK, D), lambda i: (i, 0)),
                  pl.BlockSpec((D, D), lambda i: (0, 0))],
        out_specs=pl.BlockSpec((_BLK, D), lambda i: (i, 0)),
        out_shape=jax.ShapeDtypeStruct((NP, D), f32),
    )(x_pad, W)

    degp = _make_deg_kernel(chunks)(eidx, zeros1).reshape(NC, NP, 1)

    y = pl.pallas_call(
        _scale_body,
        grid=(_GRID,),
        in_specs=[pl.BlockSpec((_BLK, D), lambda i: (i, 0)),
                  pl.BlockSpec((NC, _BLK, 1), lambda i: (0, i, 0))],
        out_specs=pl.BlockSpec((_BLK, D), lambda i: (i, 0)),
        out_shape=jax.ShapeDtypeStruct((NP, D), f32),
    )(xw, degp)

    c1 = (2 * chunks * 63) // 158
    msgp = _make_msg_kernel(2 * chunks - c1, c1)(
        eidx, y, zerosD).reshape(NC, NP, D)

    b2 = b.reshape(1, D)
    t, s_acc, q_acc = pl.pallas_call(
        _stats_body,
        grid=(_OGRID,),
        in_specs=[pl.BlockSpec((NC, _OBLK, D), lambda i: (0, i, 0)),
                  pl.BlockSpec((NC, _OBLK, 1), lambda i: (0, i, 0)),
                  pl.BlockSpec((_OBLK, D), lambda i: (i, 0)),
                  pl.BlockSpec((1, D), lambda i: (0, 0))],
        out_specs=[pl.BlockSpec((_OBLK, D), lambda i: (i, 0)),
                   pl.BlockSpec((8, D), lambda i: (0, 0)),
                   pl.BlockSpec((8, D), lambda i: (0, 0))],
        out_shape=[jax.ShapeDtypeStruct((N_NODES, D), f32),
                   jax.ShapeDtypeStruct((8, D), f32),
                   jax.ShapeDtypeStruct((8, D), f32)],
    )(msgp, degp, y, b2)

    out = pl.pallas_call(
        _norm_body,
        grid=(_OGRID,),
        in_specs=[pl.BlockSpec((_OBLK, D), lambda i: (i, 0)),
                  pl.BlockSpec((8, D), lambda i: (0, 0)),
                  pl.BlockSpec((8, D), lambda i: (0, 0)),
                  pl.BlockSpec((1, D), lambda i: (0, 0)),
                  pl.BlockSpec((1, D), lambda i: (0, 0)),
                  pl.BlockSpec((1, D), lambda i: (0, 0))],
        out_specs=pl.BlockSpec((_OBLK, D), lambda i: (i, 0)),
        out_shape=jax.ShapeDtypeStruct((N_NODES, D), f32),
    )(t, s_acc, q_acc, gn_weight.reshape(1, D), gn_bias.reshape(1, D),
      gn_mean_scale.reshape(1, D))

    return (out, edge_index)

# --- scband reference (transcript-rebuilt; emitter-appended) ---
"""Pipeline reference for scband-gcnlayer-44908178047711 (READ-ONLY COPY).

The authoritative reference and input builder live on the scoring server;
editing this copy changes nothing except your own understanding.
"""

import jax, jax.numpy as jnp
import numpy as np

N_NODES = 10000
N_EDGES = 320000
D_IN = 128
D_OUT = 128


def setup_inputs(seed: int = 0) -> dict:
    key = jax.random.key(seed)
    k_x, k_ei, k_w, k_b, k_g, k_beta = jax.random.split(key, 6)
    x = jax.random.normal(k_x, (N_NODES, D_IN), dtype=jnp.float32)
    edge_index = jax.random.randint(k_ei, (2, N_EDGES), 0, N_NODES, dtype=jnp.int64)
    # GCNConv params (glorot weight, zero bias as in PyG defaults)
    limit = jnp.sqrt(6.0 / (D_IN + D_OUT))
    W = jax.random.uniform(k_w, (D_IN, D_OUT), minval=-limit, maxval=limit, dtype=jnp.float32)
    b = jnp.zeros((D_OUT,), dtype=jnp.float32)
    # GraphNorm params
    gn_weight = jnp.ones((D_OUT,), dtype=jnp.float32)
    gn_bias = jnp.zeros((D_OUT,), dtype=jnp.float32)
    gn_mean_scale = jnp.ones((D_OUT,), dtype=jnp.float32)
    return {"x": x, "edge_index": edge_index, "W": W, "b": b,
            "gn_weight": gn_weight, "gn_bias": gn_bias, "gn_mean_scale": gn_mean_scale}


def reference(x, edge_index, W, b, gn_weight, gn_bias, gn_mean_scale):
    N = x.shape[0]
    # --- GCNConv with self-loops and symmetric normalization ---
    loop = jnp.arange(N, dtype=edge_index.dtype)
    src = jnp.concatenate([edge_index[0], loop])
    dst = jnp.concatenate([edge_index[1], loop])
    xw = x @ W
    deg = jnp.zeros((N,), dtype=xw.dtype).at[dst].add(1.0)
    deg_inv_sqrt = jnp.where(deg > 0, jax.lax.rsqrt(jnp.maximum(deg, 1e-12)), 0.0)
    norm = deg_inv_sqrt[src] * deg_inv_sqrt[dst]
    msg = xw[src] * norm[:, None]
    out = jnp.zeros((N, xw.shape[1]), dtype=xw.dtype).at[dst].add(msg)
    out = out + b
    # --- GraphNorm (single graph: stats over all nodes per feature) ---
    mean = jnp.mean(out, axis=0)
    shifted = out - gn_mean_scale * mean
    var = jnp.mean(shifted * shifted, axis=0)
    out = gn_weight * shifted * jax.lax.rsqrt(var + 1e-5) + gn_bias
    # --- LeakyReLU (default negative_slope=0.01) ---
    out = jnp.where(out >= 0, out, 0.01 * out)
    return (out, edge_index)

if __name__ == "__main__":
    import jax
    _d = setup_inputs()
    print(jax.jit(kernel)(*tuple(_d.values())))

</pallas_src>

<mosaic_0001>
#map = affine_map<(d0, d1) -> (0, 0, 0)>
#map1 = affine_map<(d0, d1) -> (0, 0)>
module attributes {stable_mosaic.version = 14 : i64} {
  func.func @msg_kernel(%arg0: i32, %arg1: i32, %arg2: memref<2529x2x128xi32, #tpu.memory_space<hbm>>, %arg3: memref<10240x128xf32, #tpu.memory_space<hbm>>, %arg4: memref<640x128xf32, #tpu.memory_space<hbm>>, %arg5: memref<20480x128xf32, #tpu.memory_space<hbm>>, %arg6: memref<10240x128xf32, #tpu.memory_space<vmem_shared>>, %arg7: memref<2x128xi32, #tpu.memory_space<vmem>>, %arg8: memref<128x128xf32, #tpu.memory_space<vmem>>, %arg9: memref<!tpu.dma_semaphore, #tpu.memory_space<semaphore_mem>>) attributes {dimension_semantics = [#tpu.dimension_semantics<core_parallel>, #tpu.dimension_semantics<subcore_parallel>], iteration_bounds = array<i64: 2, 16>, scalar_prefetch = 0 : i64, scratch_operands = 4 : i64, tpu.core_type = #tpu.core_type<sc_vector_subcore>, window_params = [{transform_indices = #map}, {transform_indices = #map1}, {transform_indices = #map1}, {transform_indices = #map1}]} {
    %eq3A = arith.constant 0 : i32
    %eq3A_0 = arith.cmpi eq, %arg0, %eq3A : i32
    %mul3A = arith.constant 95 : i32
    %mul3A_1 = arith.muli %arg1, %mul3A : i32
    %mul3A_2 = arith.constant 63 : i32
    %mul3A_3 = arith.muli %arg1, %mul3A_2 : i32
    %add3A = arith.constant 1520 : i32
    %add3A_4 = arith.addi %add3A, %mul3A_3 : i32
    %select_n3A = arith.select %eq3A_0, %mul3A_1, %add3A_4 : i32
    %eq3A_5 = arith.constant 0 : i32
    %eq3A_6 = arith.cmpi eq, %arg0, %eq3A_5 : i32
    %jit3A = arith.constant 95 : i32
    %jit3A_7 = arith.constant 63 : i32
    %select_n3A_8 = arith.select %eq3A_6, %jit3A, %jit3A_7 : i32
    %mul3A_9 = arith.constant 640 : i32
    %mul3A_10 = arith.muli %arg1, %mul3A_9 : i32
    "tpu.region"() ({
      %run_scoped3A = tpu.sem_alloc : memref<!tpu.dma_semaphore, #tpu.memory_space<semaphore_mem>>
      %dma_start3A = arith.constant 0 : i32
      %dma_start3A_26 = tpu.memref_slice %arg6[%mul3A_10, %dma_start3A] : memref<10240x128xf32, #tpu.memory_space<vmem_shared>> -> memref<640x128xf32, #tpu.memory_space<vmem_shared>>
      tpu.enqueue_dma source(%arg4 : memref<640x128xf32, #tpu.memory_space<hbm>>) target(%dma_start3A_26 : memref<640x128xf32, #tpu.memory_space<vmem_shared>>) target_semaphore(%run_scoped3A : memref<!tpu.dma_semaphore, #tpu.memory_space<semaphore_mem>>)
      %dma_wait3A = arith.constant 0 : i32
      %dma_wait3A_27 = tpu.memref_slice %arg6[%mul3A_10, %dma_wait3A] : memref<10240x128xf32, #tpu.memory_space<vmem_shared>> -> memref<640x128xf32, #tpu.memory_space<vmem_shared>>
      tpu.wait_dma2 semaphore(%run_scoped3A : memref<!tpu.dma_semaphore, #tpu.memory_space<semaphore_mem>>) src(%arg4 : memref<640x128xf32, #tpu.memory_space<hbm>>) dst(%dma_wait3A_27 : memref<640x128xf32, #tpu.memory_space<vmem_shared>>)
      tpu.yield
    }) : () -> ()
    %barrier3A = arith.constant 0 : index
    tpu.barrier barrier_id(%barrier3A)
    %while3A = arith.constant 0 : i32
    %while3A_11 = arith.constant 0 : i32
    %while3A_12 = arith.subi %select_n3A_8, %while3A_11 : i32
    %while3A_13 = arith.addi %while3A_11, %while3A_12 : i32
    %while3A_14 = arith.constant 1 : i32
    %while3A_15 = arith.divsi %while3A_12, %while3A_14 : i32
    %while3A_16 = arith.muli %while3A_15, %while3A_14 : i32
    %while3A_17 = arith.addi %while3A_11, %while3A_16 : i32
    %while3A_18 = arith.constant 1 : i32
    scf.for %while3A_26 = %while3A_11 to %while3A_17 step %while3A_18  : i32 {
      %add3A_27 = arith.addi %select_n3A, %while3A_26 : i32
      "tpu.region"() ({
        %run_scoped3A_40 = tpu.sem_alloc : memref<!tpu.dma_semaphore, #tpu.memory_space<semaphore_mem>>
        %dma_start3A_41 = arith.constant 0 : i32
        %dma_start3A_42 = arith.constant 0 : i32
        %dma_start3A_43 = tpu.memref_slice %arg2[%add3A_27, %dma_start3A_41, %dma_start3A_42] : memref<2529x2x128xi32, #tpu.memory_space<hbm>> -> memref<1x2x128xi32, #tpu.memory_space<hbm>>
        %dma_start3A_44 = tpu.memref_squeeze %dma_start3A_43 : memref<1x2x128xi32, #tpu.memory_space<hbm>> -> memref<2x128xi32, #tpu.memory_space<hbm>>
        %dma_start3A_45 = arith.constant 0 : i32
        %dma_start3A_46 = arith.constant 0 : i32
        %dma_start3A_47 = tpu.memref_slice %arg2[%add3A_27, %dma_start3A_45, %dma_start3A_46] : memref<2529x2x128xi32, #tpu.memory_space<hbm>> -> memref<1x2x128xi32, #tpu.memory_space<hbm>>
        %dma_start3A_48 = tpu.memref_squeeze %dma_start3A_47 : memref<1x2x128xi32, #tpu.memory_space<hbm>> -> memref<2x128xi32, #tpu.memory_space<hbm>>
        tpu.enqueue_dma source(%dma_start3A_48 : memref<2x128xi32, #tpu.memory_space<hbm>>) target(%arg7 : memref<2x128xi32, #tpu.memory_space<vmem>>) target_semaphore(%run_scoped3A_40 : memref<!tpu.dma_semaphore, #tpu.memory_space<semaphore_mem>>)
        %dma_wait3A_49 = arith.constant 0 : i32
        %dma_wait3A_50 = arith.constant 0 : i32
        %dma_wait3A_51 = tpu.memref_slice %arg2[%add3A_27, %dma_wait3A_49, %dma_wait3A_50] : memref<2529x2x128xi32, #tpu.memory_space<hbm>> -> memref<1x2x128xi32, #tpu.memory_space<hbm>>
        %dma_wait3A_52 = tpu.memref_squeeze %dma_wait3A_51 : memref<1x2x128xi32, #tpu.memory_space<hbm>> -> memref<2x128xi32, #tpu.memory_space<hbm>>
        %dma_wait3A_53 = arith.constant 0 : i32
        %dma_wait3A_54 = arith.constant 0 : i32
        %dma_wait3A_55 = tpu.memref_slice %arg2[%add3A_27, %dma_wait3A_53, %dma_wait3A_54] : memref<2529x2x128xi32, #tpu.memory_space<hbm>> -> memref<1x2x128xi32, #tpu.memory_space<hbm>>
        %dma_wait3A_56 = tpu.memref_squeeze %dma_wait3A_55 : memref<1x2x128xi32, #tpu.memory_space<hbm>> -> memref<2x128xi32, #tpu.memory_space<hbm>>
        tpu.wait_dma2 semaphore(%run_scoped3A_40 : memref<!tpu.dma_semaphore, #tpu.memory_space<semaphore_mem>>) src(%dma_wait3A_56 : memref<2x128xi32, #tpu.memory_space<hbm>>) dst(%arg7 : memref<2x128xi32, #tpu.memory_space<vmem>>)
        tpu.yield
      }) : () -> ()
      %dma_start3A = arith.constant 0 : i32
      %dma_start3A_28 = arith.constant 0 : i32
      %dma_start3A_29 = tpu.memref_slice %arg7[%dma_start3A, %dma_start3A_28] : memref<2x128xi32, #tpu.memory_space<vmem>> -> memref<1x128xi32, #tpu.memory_space<vmem>>
      %dma_start3A_30 = tpu.memref_squeeze %dma_start3A_29 : memref<1x128xi32, #tpu.memory_space<vmem>> -> memref<128xi32, #tpu.memory_space<vmem>>
      %dma_start3A_31 = arith.constant 0 : i32
      %dma_start3A_32 = arith.constant 0 : i32
      %dma_start3A_33 = tpu.memref_slice %arg3[%dma_start3A_31, %dma_start3A_32] : memref<10240x128xf32, #tpu.memory_space<hbm>> -> memref<10240x128xf32, #tpu.memory_space<hbm>>
      tpu.enqueue_indirect_dma source(%dma_start3A_33 : memref<10240x128xf32, #tpu.memory_space<hbm>>) target(%arg8 : memref<128x128xf32, #tpu.memory_space<vmem>>) offsets(%dma_start3A_30 : memref<128xi32, #tpu.memory_space<vmem>>) semaphore(%arg9 : memref<!tpu.dma_semaphore, #tpu.memory_space<semaphore_mem>>)
      %dma_wait3A = arith.constant 0 : i32
      %dma_wait3A_34 = arith.constant 0 : i32
      %dma_wait3A_35 = tpu.memref_slice %arg7[%dma_wait3A, %dma_wait3A_34] : memref<2x128xi32, #tpu.memory_space<vmem>> -> memref<1x128xi32, #tpu.memory_space<vmem>>
      %dma_wait3A_36 = tpu.memref_squeeze %dma_wait3A_35 : memref<1x128xi32, #tpu.memory_space<vmem>> -> memref<128xi32, #tpu.memory_space<vmem>>
      %dma_wait3A_37 = arith.constant 0 : i32
      %dma_wait3A_38 = arith.constant 0 : i32
      %dma_wait3A_39 = tpu.memref_slice %arg3[%dma_wait3A_37, %dma_wait3A_38] : memref<10240x128xf32, #tpu.memory_space<hbm>> -> memref<10240x128xf32, #tpu.memory_space<hbm>>
      tpu.wait_indirect_dma semaphore(%arg9 : memref<!tpu.dma_semaphore, #tpu.memory_space<semaphore_mem>>) src(%dma_wait3A_39 : memref<10240x128xf32, #tpu.memory_space<hbm>>) dst(%arg8 : memref<128x128xf32, #tpu.memory_space<vmem>>)
      %run_scoped3A = arith.constant 1 : i32
      "tpu.region"() ({
        %run_scoped3A_40 = tpu.sem_alloc : memref<!tpu.dma_semaphore, #tpu.memory_space<semaphore_mem>>
        %dma_start3A_41 = arith.constant 0 : i32
        %dma_start3A_42 = tpu.memref_slice %arg7[%run_scoped3A, %dma_start3A_41] : memref<2x128xi32, #tpu.memory_space<vmem>> -> memref<1x128xi32, #tpu.memory_space<vmem>>
        %dma_start3A_43 = tpu.memref_squeeze %dma_start3A_42 : memref<1x128xi32, #tpu.memory_space<vmem>> -> memref<128xi32, #tpu.memory_space<vmem>>
        %dma_start3A_44 = arith.constant 0 : i32
        %dma_start3A_45 = arith.constant 0 : i32
        %dma_start3A_46 = tpu.memref_slice %arg6[%dma_start3A_44, %dma_start3A_45] : memref<10240x128xf32, #tpu.memory_space<vmem_shared>> -> memref<10240x128xf32, #tpu.memory_space<vmem_shared>>
        tpu.enqueue_indirect_dma source(%arg8 : memref<128x128xf32, #tpu.memory_space<vmem>>) target(%dma_start3A_46 : memref<10240x128xf32, #tpu.memory_space<vmem_shared>>) offsets(%dma_start3A_43 : memref<128xi32, #tpu.memory_space<vmem>>) semaphore(%run_scoped3A_40 : memref<!tpu.dma_semaphore, #tpu.memory_space<semaphore_mem>>) {add = true}
        %dma_wait3A_47 = arith.constant 0 : i32
        %dma_wait3A_48 = tpu.memref_slice %arg7[%run_scoped3A, %dma_wait3A_47] : memref<2x128xi32, #tpu.memory_space<vmem>> -> memref<1x128xi32, #tpu.memory_space<vmem>>
        %dma_wait3A_49 = tpu.memref_squeeze %dma_wait3A_48 : memref<1x128xi32, #tpu.memory_space<vmem>> -> memref<128xi32, #tpu.memory_space<vmem>>
        %dma_wait3A_50 = arith.constant 0 : i32
        %dma_wait3A_51 = arith.constant 0 : i32
        %dma_wait3A_52 = tpu.memref_slice %arg6[%dma_wait3A_50, %dma_wait3A_51] : memref<10240x128xf32, #tpu.memory_space<vmem_shared>> -> memref<10240x128xf32, #tpu.memory_space<vmem_shared>>
        tpu.wait_indirect_dma semaphore(%run_scoped3A_40 : memref<!tpu.dma_semaphore, #tpu.memory_space<semaphore_mem>>) src(%arg8 : memref<128x128xf32, #tpu.memory_space<vmem>>) dst(%dma_wait3A_52 : memref<10240x128xf32, #tpu.memory_space<vmem_shared>>)
        tpu.yield
      }) : () -> ()
    }
    %while3A_19 = arith.constant 1 : i32
    scf.for %while3A_26 = %while3A_17 to %while3A_13 step %while3A_19  : i32 {
      %add3A_27 = arith.addi %select_n3A, %while3A_26 : i32
      "tpu.region"() ({
        %run_scoped3A_40 = tpu.sem_alloc : memref<!tpu.dma_semaphore, #tpu.memory_space<semaphore_mem>>
        %dma_start3A_41 = arith.constant 0 : i32
        %dma_start3A_42 = arith.constant 0 : i32
        %dma_start3A_43 = tpu.memref_slice %arg2[%add3A_27, %dma_start3A_41, %dma_start3A_42] : memref<2529x2x128xi32, #tpu.memory_space<hbm>> -> memref<1x2x128xi32, #tpu.memory_space<hbm>>
        %dma_start3A_44 = tpu.memref_squeeze %dma_start3A_43 : memref<1x2x128xi32, #tpu.memory_space<hbm>> -> memref<2x128xi32, #tpu.memory_space<hbm>>
        %dma_start3A_45 = arith.constant 0 : i32
        %dma_start3A_46 = arith.constant 0 : i32
        %dma_start3A_47 = tpu.memref_slice %arg2[%add3A_27, %dma_start3A_45, %dma_start3A_46] : memref<2529x2x128xi32, #tpu.memory_space<hbm>> -> memref<1x2x128xi32, #tpu.memory_space<hbm>>
        %dma_start3A_48 = tpu.memref_squeeze %dma_start3A_47 : memref<1x2x128xi32, #tpu.memory_space<hbm>> -> memref<2x128xi32, #tpu.memory_space<hbm>>
        tpu.enqueue_dma source(%dma_start3A_48 : memref<2x128xi32, #tpu.memory_space<hbm>>) target(%arg7 : memref<2x128xi32, #tpu.memory_space<vmem>>) target_semaphore(%run_scoped3A_40 : memref<!tpu.dma_semaphore, #tpu.memory_space<semaphore_mem>>)
        %dma_wait3A_49 = arith.constant 0 : i32
        %dma_wait3A_50 = arith.constant 0 : i32
        %dma_wait3A_51 = tpu.memref_slice %arg2[%add3A_27, %dma_wait3A_49, %dma_wait3A_50] : memref<2529x2x128xi32, #tpu.memory_space<hbm>> -> memref<1x2x128xi32, #tpu.memory_space<hbm>>
        %dma_wait3A_52 = tpu.memref_squeeze %dma_wait3A_51 : memref<1x2x128xi32, #tpu.memory_space<hbm>> -> memref<2x128xi32, #tpu.memory_space<hbm>>
        %dma_wait3A_53 = arith.constant 0 : i32
        %dma_wait3A_54 = arith.constant 0 : i32
        %dma_wait3A_55 = tpu.memref_slice %arg2[%add3A_27, %dma_wait3A_53, %dma_wait3A_54] : memref<2529x2x128xi32, #tpu.memory_space<hbm>> -> memref<1x2x128xi32, #tpu.memory_space<hbm>>
        %dma_wait3A_56 = tpu.memref_squeeze %dma_wait3A_55 : memref<1x2x128xi32, #tpu.memory_space<hbm>> -> memref<2x128xi32, #tpu.memory_space<hbm>>
        tpu.wait_dma2 semaphore(%run_scoped3A_40 : memref<!tpu.dma_semaphore, #tpu.memory_space<semaphore_mem>>) src(%dma_wait3A_56 : memref<2x128xi32, #tpu.memory_space<hbm>>) dst(%arg7 : memref<2x128xi32, #tpu.memory_space<vmem>>)
        tpu.yield
      }) : () -> ()
      %dma_start3A = arith.constant 0 : i32
      %dma_start3A_28 = arith.constant 0 : i32
      %dma_start3A_29 = tpu.memref_slice %arg7[%dma_start3A, %dma_start3A_28] : memref<2x128xi32, #tpu.memory_space<vmem>> -> memref<1x128xi32, #tpu.memory_space<vmem>>
      %dma_start3A_30 = tpu.memref_squeeze %dma_start3A_29 : memref<1x128xi32, #tpu.memory_space<vmem>> -> memref<128xi32, #tpu.memory_space<vmem>>
      %dma_start3A_31 = arith.constant 0 : i32
      %dma_start3A_32 = arith.constant 0 : i32
      %dma_start3A_33 = tpu.memref_slice %arg3[%dma_start3A_31, %dma_start3A_32] : memref<10240x128xf32, #tpu.memory_space<hbm>> -> memref<10240x128xf32, #tpu.memory_space<hbm>>
      tpu.enqueue_indirect_dma source(%dma_start3A_33 : memref<10240x128xf32, #tpu.memory_space<hbm>>) target(%arg8 : memref<128x128xf32, #tpu.memory_space<vmem>>) offsets(%dma_start3A_30 : memref<128xi32, #tpu.memory_space<vmem>>) semaphore(%arg9 : memref<!tpu.dma_semaphore, #tpu.memory_space<semaphore_mem>>)
      %dma_wait3A = arith.constant 0 : i32
      %dma_wait3A_34 = arith.constant 0 : i32
      %dma_wait3A_35 = tpu.memref_slice %arg7[%dma_wait3A, %dma_wait3A_34] : memref<2x128xi32, #tpu.memory_space<vmem>> -> memref<1x128xi32, #tpu.memory_space<vmem>>
      %dma_wait3A_36 = tpu.memref_squeeze %dma_wait3A_35 : memref<1x128xi32, #tpu.memory_space<vmem>> -> memref<128xi32, #tpu.memory_space<vmem>>
      %dma_wait3A_37 = arith.constant 0 : i32
      %dma_wait3A_38 = arith.constant 0 : i32
      %dma_wait3A_39 = tpu.memref_slice %arg3[%dma_wait3A_37, %dma_wait3A_38] : memref<10240x128xf32, #tpu.memory_space<hbm>> -> memref<10240x128xf32, #tpu.memory_space<hbm>>
      tpu.wait_indirect_dma semaphore(%arg9 : memref<!tpu.dma_semaphore, #tpu.memory_space<semaphore_mem>>) src(%dma_wait3A_39 : memref<10240x128xf32, #tpu.memory_space<hbm>>) dst(%arg8 : memref<128x128xf32, #tpu.memory_space<vmem>>)
      %run_scoped3A = arith.constant 1 : i32
      "tpu.region"() ({
        %run_scoped3A_40 = tpu.sem_alloc : memref<!tpu.dma_semaphore, #tpu.memory_space<semaphore_mem>>
        %dma_start3A_41 = arith.constant 0 : i32
        %dma_start3A_42 = tpu.memref_slice %arg7[%run_scoped3A, %dma_start3A_41] : memref<2x128xi32, #tpu.memory_space<vmem>> -> memref<1x128xi32, #tpu.memory_space<vmem>>
        %dma_start3A_43 = tpu.memref_squeeze %dma_start3A_42 : memref<1x128xi32, #tpu.memory_space<vmem>> -> memref<128xi32, #tpu.memory_space<vmem>>
        %dma_start3A_44 = arith.constant 0 : i32
        %dma_start3A_45 = arith.constant 0 : i32
        %dma_start3A_46 = tpu.memref_slice %arg6[%dma_start3A_44, %dma_start3A_45] : memref<10240x128xf32, #tpu.memory_space<vmem_shared>> -> memref<10240x128xf32, #tpu.memory_space<vmem_shared>>
        tpu.enqueue_indirect_dma source(%arg8 : memref<128x128xf32, #tpu.memory_space<vmem>>) target(%dma_start3A_46 : memref<10240x128xf32, #tpu.memory_space<vmem_shared>>) offsets(%dma_start3A_43 : memref<128xi32, #tpu.memory_space<vmem>>) semaphore(%run_scoped3A_40 : memref<!tpu.dma_semaphore, #tpu.memory_space<semaphore_mem>>) {add = true}
        %dma_wait3A_47 = arith.constant 0 : i32
        %dma_wait3A_48 = tpu.memref_slice %arg7[%run_scoped3A, %dma_wait3A_47] : memref<2x128xi32, #tpu.memory_space<vmem>> -> memref<1x128xi32, #tpu.memory_space<vmem>>
        %dma_wait3A_49 = tpu.memref_squeeze %dma_wait3A_48 : memref<1x128xi32, #tpu.memory_space<vmem>> -> memref<128xi32, #tpu.memory_space<vmem>>
        %dma_wait3A_50 = arith.constant 0 : i32
        %dma_wait3A_51 = arith.constant 0 : i32
        %dma_wait3A_52 = tpu.memref_slice %arg6[%dma_wait3A_50, %dma_wait3A_51] : memref<10240x128xf32, #tpu.memory_space<vmem_shared>> -> memref<10240x128xf32, #tpu.memory_space<vmem_shared>>
        tpu.wait_indirect_dma semaphore(%run_scoped3A_40 : memref<!tpu.dma_semaphore, #tpu.memory_space<semaphore_mem>>) src(%arg8 : memref<128x128xf32, #tpu.memory_space<vmem>>) dst(%dma_wait3A_52 : memref<10240x128xf32, #tpu.memory_space<vmem_shared>>)
        tpu.yield
      }) : () -> ()
    }
    %barrier3A_20 = arith.constant 0 : index
    tpu.barrier barrier_id(%barrier3A_20)
    %mul3A_21 = arith.constant 640 : i32
    %mul3A_22 = arith.muli %arg1, %mul3A_21 : i32
    %mul3A_23 = arith.constant 10240 : i32
    %mul3A_24 = arith.muli %arg0, %mul3A_23 : i32
    %add3A_25 = arith.addi %mul3A_24, %mul3A_22 : i32
    "tpu.region"() ({
      %run_scoped3A = tpu.sem_alloc : memref<!tpu.dma_semaphore, #tpu.memory_space<semaphore_mem>>
      %dma_start3A = arith.constant 0 : i32
      %dma_start3A_26 = tpu.memref_slice %arg5[%add3A_25, %dma_start3A] : memref<20480x128xf32, #tpu.memory_space<hbm>> -> memref<640x128xf32, #tpu.memory_space<hbm>>
      %dma_start3A_27 = arith.constant 0 : i32
      %dma_start3A_28 = tpu.memref_slice %arg6[%mul3A_22, %dma_start3A_27] : memref<10240x128xf32, #tpu.memory_space<vmem_shared>> -> memref<640x128xf32, #tpu.memory_space<vmem_shared>>
      tpu.enqueue_dma source(%dma_start3A_28 : memref<640x128xf32, #tpu.memory_space<vmem_shared>>) target(%dma_start3A_26 : memref<640x128xf32, #tpu.memory_space<hbm>>) target_semaphore(%run_scoped3A : memref<!tpu.dma_semaphore, #tpu.memory_space<semaphore_mem>>)
      %dma_wait3A = arith.constant 0 : i32
      %dma_wait3A_29 = tpu.memref_slice %arg5[%add3A_25, %dma_wait3A] : memref<20480x128xf32, #tpu.memory_space<hbm>> -> memref<640x128xf32, #tpu.memory_space<hbm>>
      %dma_wait3A_30 = arith.constant 0 : i32
      %dma_wait3A_31 = tpu.memref_slice %arg6[%mul3A_22, %dma_wait3A_30] : memref<10240x128xf32, #tpu.memory_space<vmem_shared>> -> memref<640x128xf32, #tpu.memory_space<vmem_shared>>
      tpu.wait_dma2 semaphore(%run_scoped3A : memref<!tpu.dma_semaphore, #tpu.memory_space<semaphore_mem>>) src(%dma_wait3A_31 : memref<640x128xf32, #tpu.memory_space<vmem_shared>>) dst(%dma_wait3A_29 : memref<640x128xf32, #tpu.memory_space<hbm>>)
      tpu.yield
    }) : () -> ()
    return
  }
}

#map = affine_map<(d0, d1) -> (0, 0, 0)>
#map1 = affine_map<(d0, d1) -> (0)>
module attributes {stable_mosaic.version = 14 : i64} {
  func.func @deg_kernel(%arg0: i32, %arg1: i32, %arg2: memref<2529x2x128xi32, #tpu.memory_space<hbm>>, %arg3: memref<640xf32, #tpu.memory_space<hbm>>, %arg4: memref<20480xf32, #tpu.memory_space<hbm>>, %arg5: memref<10240xf32, #tpu.memory_space<vmem_shared>>, %arg6: memref<2x128xi32, #tpu.memory_space<vmem>>, %arg7: memref<128xf32, #tpu.memory_space<vmem>>) attributes {dimension_semantics = [#tpu.dimension_semantics<core_parallel>, #tpu.dimension_semantics<subcore_parallel>], iteration_bounds = array<i64: 2, 16>, scalar_prefetch = 0 : i64, scratch_operands = 3 : i64, tpu.core_type = #tpu.core_type<sc_vector_subcore>, window_params = [{transform_indices = #map}, {transform_indices = #map1}, {transform_indices = #map1}]} {
    %mul3A = arith.constant 16 : i32
    %mul3A_0 = arith.muli %arg0, %mul3A : i32
    %add3A = arith.addi %mul3A_0, %arg1 : i32
    %mul3A_1 = arith.constant 640 : i32
    %mul3A_2 = arith.muli %arg1, %mul3A_1 : i32
    "tpu.region"() ({
      %run_scoped3A = tpu.sem_alloc : memref<!tpu.dma_semaphore, #tpu.memory_space<semaphore_mem>>
      %dma_start3A = tpu.memref_slice %arg5[%mul3A_2] : memref<10240xf32, #tpu.memory_space<vmem_shared>> -> memref<640xf32, #tpu.memory_space<vmem_shared>>
      tpu.enqueue_dma source(%arg3 : memref<640xf32, #tpu.memory_space<hbm>>) target(%dma_start3A : memref<640xf32, #tpu.memory_space<vmem_shared>>) target_semaphore(%run_scoped3A : memref<!tpu.dma_semaphore, #tpu.memory_space<semaphore_mem>>)
      %dma_wait3A = tpu.memref_slice %arg5[%mul3A_2] : memref<10240xf32, #tpu.memory_space<vmem_shared>> -> memref<640xf32, #tpu.memory_space<vmem_shared>>
      tpu.wait_dma2 semaphore(%run_scoped3A : memref<!tpu.dma_semaphore, #tpu.memory_space<semaphore_mem>>) src(%arg3 : memref<640xf32, #tpu.memory_space<hbm>>) dst(%dma_wait3A : memref<640xf32, #tpu.memory_space<vmem_shared>>)
      tpu.yield
    }) : () -> ()
    %broadcast_in_dim3A = arith.constant 1.000000e+00 : f32
    %broadcast_in_dim3A_3 = vector.broadcast %broadcast_in_dim3A : f32 to vector<16xf32>
    %swap3A = arith.constant 0 : index
    %swap3A_4 = tpu.vector_load %arg7[%swap3A] {strides = array<i32>} : memref<128xf32, #tpu.memory_space<vmem>>, vector<16xf32>,
    %swap3A_5 = vector.shape_cast %swap3A_4 : vector<16xf32> to vector<16xf32>
    %swap3A_6 = vector.shape_cast %broadcast_in_dim3A_3 : vector<16xf32> to vector<16xf32>
    tpu.vector_store %arg7[%swap3A], %swap3A_6 {strides = array<i32>} : memref<128xf32, #tpu.memory_space<vmem>>, vector<16xf32>,
    %broadcast_in_dim3A_7 = arith.constant 1.000000e+00 : f32
    %broadcast_in_dim3A_8 = vector.broadcast %broadcast_in_dim3A_7 : f32 to vector<16xf32>
    %swap3A_9 = arith.constant 16 : index
    %swap3A_10 = tpu.vector_load %arg7[%swap3A_9] {strides = array<i32>} : memref<128xf32, #tpu.memory_space<vmem>>, vector<16xf32>,
    %swap3A_11 = vector.shape_cast %swap3A_10 : vector<16xf32> to vector<16xf32>
    %swap3A_12 = vector.shape_cast %broadcast_in_dim3A_8 : vector<16xf32> to vector<16xf32>
    tpu.vector_store %arg7[%swap3A_9], %swap3A_12 {strides = array<i32>} : memref<128xf32, #tpu.memory_space<vmem>>, vector<16xf32>,
    %broadcast_in_dim3A_13 = arith.constant 1.000000e+00 : f32
    %broadcast_in_dim3A_14 = vector.broadcast %broadcast_in_dim3A_13 : f32 to vector<16xf32>
    %swap3A_15 = arith.constant 32 : index
    %swap3A_16 = tpu.vector_load %arg7[%swap3A_15] {strides = array<i32>} : memref<128xf32, #tpu.memory_space<vmem>>, vector<16xf32>,
    %swap3A_17 = vector.shape_cast %swap3A_16 : vector<16xf32> to vector<16xf32>
    %swap3A_18 = vector.shape_cast %broadcast_in_dim3A_14 : vector<16xf32> to vector<16xf32>
    tpu.vector_store %arg7[%swap3A_15], %swap3A_18 {strides = array<i32>} : memref<128xf32, #tpu.memory_space<vmem>>, vector<16xf32>,
    %broadcast_in_dim3A_19 = arith.constant 1.000000e+00 : f32
    %broadcast_in_dim3A_20 = vector.broadcast %broadcast_in_dim3A_19 : f32 to vector<16xf32>
    %swap3A_21 = arith.constant 48 : index
    %swap3A_22 = tpu.vector_load %arg7[%swap3A_21] {strides = array<i32>} : memref<128xf32, #tpu.memory_space<vmem>>, vector<16xf32>,
    %swap3A_23 = vector.shape_cast %swap3A_22 : vector<16xf32> to vector<16xf32>
    %swap3A_24 = vector.shape_cast %broadcast_in_dim3A_20 : vector<16xf32> to vector<16xf32>
    tpu.vector_store %arg7[%swap3A_21], %swap3A_24 {strides = array<i32>} : memref<128xf32, #tpu.memory_space<vmem>>, vector<16xf32>,
    %broadcast_in_dim3A_25 = arith.constant 1.000000e+00 : f32
    %broadcast_in_dim3A_26 = vector.broadcast %broadcast_in_dim3A_25 : f32 to vector<16xf32>
    %swap3A_27 = arith.constant 64 : index
    %swap3A_28 = tpu.vector_load %arg7[%swap3A_27] {strides = array<i32>} : memref<128xf32, #tpu.memory_space<vmem>>, vector<16xf32>,
    %swap3A_29 = vector.shape_cast %swap3A_28 : vector<16xf32> to vector<16xf32>
    %swap3A_30 = vector.shape_cast %broadcast_in_dim3A_26 : vector<16xf32> to vector<16xf32>
    tpu.vector_store %arg7[%swap3A_27], %swap3A_30 {strides = array<i32>} : memref<128xf32, #tpu.memory_space<vmem>>, vector<16xf32>,
    %broadcast_in_dim3A_31 = arith.constant 1.000000e+00 : f32
    %broadcast_in_dim3A_32 = vector.broadcast %broadcast_in_dim3A_31 : f32 to vector<16xf32>
    %swap3A_33 = arith.constant 80 : index
    %swap3A_34 = tpu.vector_load %arg7[%swap3A_33] {strides = array<i32>} : memref<128xf32, #tpu.memory_space<vmem>>, vector<16xf32>,
    %swap3A_35 = vector.shape_cast %swap3A_34 : vector<16xf32> to vector<16xf32>
    %swap3A_36 = vector.shape_cast %broadcast_in_dim3A_32 : vector<16xf32> to vector<16xf32>
    tpu.vector_store %arg7[%swap3A_33], %swap3A_36 {strides = array<i32>} : memref<128xf32, #tpu.memory_space<vmem>>, vector<16xf32>,
    %broadcast_in_dim3A_37 = arith.constant 1.000000e+00 : f32
    %broadcast_in_dim3A_38 = vector.broadcast %broadcast_in_dim3A_37 : f32 to vector<16xf32>
    %swap3A_39 = arith.constant 96 : index
    %swap3A_40 = tpu.vector_load %arg7[%swap3A_39] {strides = array<i32>} : memref<128xf32, #tpu.memory_space<vmem>>, vector<16xf32>,
    %swap3A_41 = vector.shape_cast %swap3A_40 : vector<16xf32> to vector<16xf32>
    %swap3A_42 = vector.shape_cast %broadcast_in_dim3A_38 : vector<16xf32> to vector<16xf32>
    tpu.vector_store %arg7[%swap3A_39], %swap3A_42 {strides = array<i32>} : memref<128xf32, #tpu.memory_space<vmem>>, vector<16xf32>,
    %broadcast_in_dim3A_43 = arith.constant 1.000000e+00 : f32
    %broadcast_in_dim3A_44 = vector.broadcast %broadcast_in_dim3A_43 : f32 to vector<16xf32>
    %swap3A_45 = arith.constant 112 : index
    %swap3A_46 = tpu.vector_load %arg7[%swap3A_45] {strides = array<i32>} : memref<128xf32, #tpu.memory_space<vmem>>, vector<16xf32>,
    %swap3A_47 = vector.shape_cast %swap3A_46 : vector<16xf32> to vector<16xf32>
    %swap3A_48 = vector.shape_cast %broadcast_in_dim3A_44 : vector<16xf32> to vector<16xf32>
    tpu.vector_store %arg7[%swap3A_45], %swap3A_48 {strides = array<i32>} : memref<128xf32, #tpu.memory_space<vmem>>, vector<16xf32>,
    %barrier3A = arith.constant 0 : index
    tpu.barrier barrier_id(%barrier3A)
    %scan3A = arith.constant 0 : i32
    %scan3A_49 = arith.constant 0 : i32
    %scan3A_50 = arith.constant 79 : i32
    %scan3A_51 = arith.addi %scan3A_49, %scan3A_50 : i32
    %scan3A_52 = arith.constant 1 : i32
    scf.for %scan3A_60 = %scan3A_49 to %scan3A_51 step %scan3A_52  : i32 {
      %mul3A_61 = arith.constant 79 : i32
      %mul3A_62 = arith.muli %add3A, %mul3A_61 : i32
      %add3A_63 = arith.addi %mul3A_62, %scan3A_60 : i32
      "tpu.region"() ({
        %run_scoped3A_64 = tpu.sem_alloc : memref<!tpu.dma_semaphore, #tpu.memory_space<semaphore_mem>>
        %dma_start3A = arith.constant 0 : i32
        %dma_start3A_65 = arith.constant 0 : i32
        %dma_start3A_66 = tpu.memref_slice %arg2[%add3A_63, %dma_start3A, %dma_start3A_65] : memref<2529x2x128xi32, #tpu.memory_space<hbm>> -> memref<1x2x128xi32, #tpu.memory_space<hbm>>
        %dma_start3A_67 = tpu.memref_squeeze %dma_start3A_66 : memref<1x2x128xi32, #tpu.memory_space<hbm>> -> memref<2x128xi32, #tpu.memory_space<hbm>>
        %dma_start3A_68 = arith.constant 0 : i32
        %dma_start3A_69 = arith.constant 0 : i32
        %dma_start3A_70 = tpu.memref_slice %arg2[%add3A_63, %dma_start3A_68, %dma_start3A_69] : memref<2529x2x128xi32, #tpu.memory_space<hbm>> -> memref<1x2x128xi32, #tpu.memory_space<hbm>>
        %dma_start3A_71 = tpu.memref_squeeze %dma_start3A_70 : memref<1x2x128xi32, #tpu.memory_space<hbm>> -> memref<2x128xi32, #tpu.memory_space<hbm>>
        tpu.enqueue_dma source(%dma_start3A_71 : memref<2x128xi32, #tpu.memory_space<hbm>>) target(%arg6 : memref<2x128xi32, #tpu.memory_space<vmem>>) target_semaphore(%run_scoped3A_64 : memref<!tpu.dma_semaphore, #tpu.memory_space<semaphore_mem>>)
        %dma_wait3A = arith.constant 0 : i32
        %dma_wait3A_72 = arith.constant 0 : i32
        %dma_wait3A_73 = tpu.memref_slice %arg2[%add3A_63, %dma_wait3A, %dma_wait3A_72] : memref<2529x2x128xi32, #tpu.memory_space<hbm>> -> memref<1x2x128xi32, #tpu.memory_space<hbm>>
        %dma_wait3A_74 = tpu.memref_squeeze %dma_wait3A_73 : memref<1x2x128xi32, #tpu.memory_space<hbm>> -> memref<2x128xi32, #tpu.memory_space<hbm>>
        %dma_wait3A_75 = arith.constant 0 : i32
        %dma_wait3A_76 = arith.constant 0 : i32
        %dma_wait3A_77 = tpu.memref_slice %arg2[%add3A_63, %dma_wait3A_75, %dma_wait3A_76] : memref<2529x2x128xi32, #tpu.memory_space<hbm>> -> memref<1x2x128xi32, #tpu.memory_space<hbm>>
        %dma_wait3A_78 = tpu.memref_squeeze %dma_wait3A_77 : memref<1x2x128xi32, #tpu.memory_space<hbm>> -> memref<2x128xi32, #tpu.memory_space<hbm>>
        tpu.wait_dma2 semaphore(%run_scoped3A_64 : memref<!tpu.dma_semaphore, #tpu.memory_space<semaphore_mem>>) src(%dma_wait3A_78 : memref<2x128xi32, #tpu.memory_space<hbm>>) dst(%arg6 : memref<2x128xi32, #tpu.memory_space<vmem>>)
        tpu.yield
      }) : () -> ()
      %run_scoped3A = arith.constant 1 : i32
      "tpu.region"() ({
        %run_scoped3A_64 = tpu.sem_alloc : memref<!tpu.dma_semaphore, #tpu.memory_space<semaphore_mem>>
        %dma_start3A = arith.constant 0 : i32
        %dma_start3A_65 = tpu.memref_slice %arg6[%run_scoped3A, %dma_start3A] : memref<2x128xi32, #tpu.memory_space<vmem>> -> memref<1x128xi32, #tpu.memory_space<vmem>>
        %dma_start3A_66 = tpu.memref_squeeze %dma_start3A_65 : memref<1x128xi32, #tpu.memory_space<vmem>> -> memref<128xi32, #tpu.memory_space<vmem>>
        %dma_start3A_67 = arith.constant 0 : i32
        %dma_start3A_68 = tpu.memref_slice %arg5[%dma_start3A_67] : memref<10240xf32, #tpu.memory_space<vmem_shared>> -> memref<10240xf32, #tpu.memory_space<vmem_shared>>
        tpu.enqueue_indirect_dma source(%arg7 : memref<128xf32, #tpu.memory_space<vmem>>) target(%dma_start3A_68 : memref<10240xf32, #tpu.memory_space<vmem_shared>>) offsets(%dma_start3A_66 : memref<128xi32, #tpu.memory_space<vmem>>) semaphore(%run_scoped3A_64 : memref<!tpu.dma_semaphore, #tpu.memory_space<semaphore_mem>>) {add = true}
        %dma_wait3A = arith.constant 0 : i32
        %dma_wait3A_69 = tpu.memref_slice %arg6[%run_scoped3A, %dma_wait3A] : memref<2x128xi32, #tpu.memory_space<vmem>> -> memref<1x128xi32, #tpu.memory_space<vmem>>
        %dma_wait3A_70 = tpu.memref_squeeze %dma_wait3A_69 : memref<1x128xi32, #tpu.memory_space<vmem>> -> memref<128xi32, #tpu.memory_space<vmem>>
        %dma_wait3A_71 = arith.constant 0 : i32
        %dma_wait3A_72 = tpu.memref_slice %arg5[%dma_wait3A_71] : memref<10240xf32, #tpu.memory_space<vmem_shared>> -> memref<10240xf32, #tpu.memory_space<vmem_shared>>
        tpu.wait_indirect_dma semaphore(%run_scoped3A_64 : memref<!tpu.dma_semaphore, #tpu.memory_space<semaphore_mem>>) src(%arg7 : memref<128xf32, #tpu.memory_space<vmem>>) dst(%dma_wait3A_72 : memref<10240xf32, #tpu.memory_space<vmem_shared>>)
        tpu.yield
      }) : () -> ()
    }
    %scan3A_53 = arith.constant 79 : i32
    %barrier3A_54 = arith.constant 0 : index
    tpu.barrier barrier_id(%barrier3A_54)
    %mul3A_55 = arith.constant 640 : i32
    %mul3A_56 = arith.muli %arg1, %mul3A_55 : i32
    %mul3A_57 = arith.constant 10240 : i32
    %mul3A_58 = arith.muli %arg0, %mul3A_57 : i32
    %add3A_59 = arith.addi %mul3A_58, %mul3A_56 : i32
    "tpu.region"() ({
      %run_scoped3A = tpu.sem_alloc : memref<!tpu.dma_semaphore, #tpu.memory_space<semaphore_mem>>
      %dma_start3A = tpu.memref_slice %arg4[%add3A_59] : memref<20480xf32, #tpu.memory_space<hbm>> -> memref<640xf32, #tpu.memory_space<hbm>>
      %dma_start3A_60 = tpu.memref_slice %arg5[%mul3A_56] : memref<10240xf32, #tpu.memory_space<vmem_shared>> -> memref<640xf32, #tpu.memory_space<vmem_shared>>
      tpu.enqueue_dma source(%dma_start3A_60 : memref<640xf32, #tpu.memory_space<vmem_shared>>) target(%dma_start3A : memref<640xf32, #tpu.memory_space<hbm>>) target_semaphore(%run_scoped3A : memref<!tpu.dma_semaphore, #tpu.memory_space<semaphore_mem>>)
      %dma_wait3A = tpu.memref_slice %arg4[%add3A_59] : memref<20480xf32, #tpu.memory_space<hbm>> -> memref<640xf32, #tpu.memory_space<hbm>>
      %dma_wait3A_61 = tpu.memref_slice %arg5[%mul3A_56] : memref<10240xf32, #tpu.memory_space<vmem_shared>> -> memref<640xf32, #tpu.memory_space<vmem_shared>>
      tpu.wait_dma2 semaphore(%run_scoped3A : memref<!tpu.dma_semaphore, #tpu.memory_space<semaphore_mem>>) src(%dma_wait3A_61 : memref<640xf32, #tpu.memory_space<vmem_shared>>) dst(%dma_wait3A : memref<640xf32, #tpu.memory_space<hbm>>)
      tpu.yield
    }) : () -> ()
    return
  }
}

module attributes {stable_mosaic.version = 14 : i64} {
  func.func @_mm_body(%arg0: i32, %arg1: memref<2048x128xf32, #tpu.memory_space<vmem>>, %arg2: memref<128x128xf32, #tpu.memory_space<vmem>>, %arg3: memref<2048x128xf32, #tpu.memory_space<vmem>>) attributes {dimension_semantics = [#tpu.dimension_semantics<arbitrary>], iteration_bounds = array<i64: 5>, scalar_prefetch = 0 : i64, scratch_operands = 0 : i64, tpu.core_type = #tpu.core_type<tc>, window_params = [{transform_indices = @transform_0, window_bounds = array<i64: 2048, 128>}, {pipeline_mode = #tpu.pipeline_mode<synchronous>, transform_indices = @transform_1, window_bounds = array<i64: 128, 128>}, {transform_indices = @transform_2, window_bounds = array<i64: 2048, 128>}]} {
    %get3A = arith.constant 0 : index
    %get3A_0 = arith.constant 0 : index
    %get3A_1 = vector.load %arg1[%get3A, %get3A_0] : memref<2048x128xf32, #tpu.memory_space<vmem>>, vector<2048x128xf32>
    %get3A_2 = arith.constant 0 : index
    %get3A_3 = arith.constant 0 : index
    %get3A_4 = vector.load %arg2[%get3A_2, %get3A_3] : memref<128x128xf32, #tpu.memory_space<vmem>>, vector<128x128xf32>
    %dot_general3A = arith.constant dense<0.000000e+00> : vector<2048x128xf32>
    %dot_general3A_5 = tpu.matmul %get3A_1, %get3A_4, %dot_general3A {dimension_numbers = #tpu.dot_dimension_numbers<[1], [0], [0], [1], [0, 0, 1, 1], [], []>, transpose_lhs_hint = false} : vector<2048x128xf32>, vector<128x128xf32>, vector<2048x128xf32> -> vector<2048x128xf32>
    %swap3A = arith.constant 0 : index
    %swap3A_6 = arith.constant 0 : index
    %swap3A_7 = vector.load %arg3[%swap3A, %swap3A_6] : memref<2048x128xf32, #tpu.memory_space<vmem>>, vector<2048x128xf32>
    tpu.vector_store %arg3[%swap3A, %swap3A_6], %dot_general3A_5 {strides = array<i32>} : memref<2048x128xf32, #tpu.memory_space<vmem>>, vector<2048x128xf32>,
    return
  }
  func.func @transform_0(%arg0: i32) -> (i32, i32) {
    %c0_i32 = arith.constant 0 : i32
    %c0_i32_0 = arith.constant 0 : i32
    return %arg0, %c0_i32 : i32, i32
  }
  func.func @transform_1(%arg0: i32) -> (i32, i32) {
    %c0_i32 = arith.constant 0 : i32
    %c0_i32_0 = arith.constant 0 : i32
    %c0_i32_1 = arith.constant 0 : i32
    return %c0_i32, %c0_i32_0 : i32, i32
  }
  func.func @transform_2(%arg0: i32) -> (i32, i32) {
    %c0_i32 = arith.constant 0 : i32
    %c0_i32_0 = arith.constant 0 : i32
    return %arg0, %c0_i32 : i32, i32
  }
}

module attributes {stable_mosaic.version = 14 : i64} {
  func.func @_scale_body(%arg0: i32, %arg1: memref<2048x128xf32, #tpu.memory_space<vmem>>, %arg2: memref<2x2048x1xf32, #tpu.memory_space<vmem>>, %arg3: memref<2048x128xf32, #tpu.memory_space<vmem>>) attributes {dimension_semantics = [#tpu.dimension_semantics<arbitrary>], iteration_bounds = array<i64: 5>, scalar_prefetch = 0 : i64, scratch_operands = 0 : i64, tpu.core_type = #tpu.core_type<tc>, window_params = [{transform_indices = @transform_0, window_bounds = array<i64: 2048, 128>}, {transform_indices = @transform_1, window_bounds = array<i64: 2, 2048, 1>}, {transform_indices = @transform_2, window_bounds = array<i64: 2048, 128>}]} {
    %get3A = arith.constant 0 : index
    %get3A_0 = arith.constant 0 : index
    %get3A_1 = arith.constant 0 : index
    %get3A_2 = vector.load %arg2[%get3A, %get3A_0, %get3A_1] : memref<2x2048x1xf32, #tpu.memory_space<vmem>>, vector<1x2048x1xf32>
    %get3A_3 = vector.shape_cast %get3A_2 : vector<1x2048x1xf32> to vector<2048x1xf32>
    %get3A_4 = arith.constant 1 : index
    %get3A_5 = arith.constant 0 : index
    %get3A_6 = arith.constant 0 : index
    %get3A_7 = vector.load %arg2[%get3A_4, %get3A_5, %get3A_6] : memref<2x2048x1xf32, #tpu.memory_space<vmem>>, vector<1x2048x1xf32>
    %get3A_8 = vector.shape_cast %get3A_7 : vector<1x2048x1xf32> to vector<2048x1xf32>
    %add3A = arith.addf %get3A_3, %get3A_8 : vector<2048x1xf32>
    %add3A_9 = arith.constant 1.000000e+00 : f32
    %add3A_10 = vector.broadcast %add3A_9 : f32 to vector<2048x1xf32>
    %add3A_11 = arith.addf %add3A, %add3A_10 : vector<2048x1xf32>
    %get3A_12 = arith.constant 0 : index
    %get3A_13 = arith.constant 0 : index
    %get3A_14 = vector.load %arg1[%get3A_12, %get3A_13] : memref<2048x128xf32, #tpu.memory_space<vmem>>, vector<2048x128xf32>
    %rsqrt3A = math.rsqrt %add3A_11 : vector<2048x1xf32>
    %mul3A = vector.broadcast %rsqrt3A : vector<2048x1xf32> to vector<2048x128xf32>
    %mul3A_15 = arith.mulf %get3A_14, %mul3A : vector<2048x128xf32>
    %swap3A = arith.constant 0 : index
    %swap3A_16 = arith.constant 0 : index
    %swap3A_17 = vector.load %arg3[%swap3A, %swap3A_16] : memref<2048x128xf32, #tpu.memory_space<vmem>>, vector<2048x128xf32>
    tpu.vector_store %arg3[%swap3A, %swap3A_16], %mul3A_15 {strides = array<i32>} : memref<2048x128xf32, #tpu.memory_space<vmem>>, vector<2048x128xf32>,
    return
  }
  func.func @transform_0(%arg0: i32) -> (i32, i32) {
    %c0_i32 = arith.constant 0 : i32
    %c0_i32_0 = arith.constant 0 : i32
    return %arg0, %c0_i32 : i32, i32
  }
  func.func @transform_1(%arg0: i32) -> (i32, i32, i32) {
    %c0_i32 = arith.constant 0 : i32
    %c0_i32_0 = arith.constant 0 : i32
    %c0_i32_1 = arith.constant 0 : i32
    return %c0_i32, %arg0, %c0_i32_0 : i32, i32, i32
  }
  func.func @transform_2(%arg0: i32) -> (i32, i32) {
    %c0_i32 = arith.constant 0 : i32
    %c0_i32_0 = arith.constant 0 : i32
    return %arg0, %c0_i32 : i32, i32
  }
}

module attributes {stable_mosaic.version = 14 : i64} {
  func.func @_stats_body(%arg0: i32, %arg1: memref<2x2000x128xf32, #tpu.memory_space<vmem>>, %arg2: memref<2x2000x1xf32, #tpu.memory_space<vmem>>, %arg3: memref<2000x128xf32, #tpu.memory_space<vmem>>, %arg4: memref<1x128xf32, #tpu.memory_space<vmem>>, %arg5: memref<2000x128xf32, #tpu.memory_space<vmem>>, %arg6: memref<8x128xf32, #tpu.memory_space<vmem>>, %arg7: memref<8x128xf32, #tpu.memory_space<vmem>>) attributes {dimension_semantics = [#tpu.dimension_semantics<arbitrary>], iteration_bounds = array<i64: 5>, scalar_prefetch = 0 : i64, scratch_operands = 0 : i64, tpu.core_type = #tpu.core_type<tc>, window_params = [{transform_indices = @transform_0, window_bounds = array<i64: 2, 2000, 128>}, {transform_indices = @transform_1, window_bounds = array<i64: 2, 2000, 1>}, {transform_indices = @transform_2, window_bounds = array<i64: 2000, 128>}, {pipeline_mode = #tpu.pipeline_mode<synchronous>, transform_indices = @transform_3, window_bounds = array<i64: 1, 128>}, {transform_indices = @transform_4, window_bounds = array<i64: 2000, 128>}, {pipeline_mode = #tpu.pipeline_mode<synchronous>, transform_indices = @transform_5, window_bounds = array<i64: 8, 128>}, {pipeline_mode = #tpu.pipeline_mode<synchronous>, transform_indices = @transform_6, window_bounds = array<i64: 8, 128>}]} {
    %get3A = arith.constant 0 : index
    %get3A_0 = arith.constant 0 : index
    %get3A_1 = arith.constant 0 : index
    %get3A_2 = vector.load %arg2[%get3A, %get3A_0, %get3A_1] : memref<2x2000x1xf32, #tpu.memory_space<vmem>>, vector<1x2000x1xf32>
    %get3A_3 = vector.shape_cast %get3A_2 : vector<1x2000x1xf32> to vector<2000x1xf32>
    %get3A_4 = arith.constant 1 : index
    %get3A_5 = arith.constant 0 : index
    %get3A_6 = arith.constant 0 : index
    %get3A_7 = vector.load %arg2[%get3A_4, %get3A_5, %get3A_6] : memref<2x2000x1xf32, #tpu.memory_space<vmem>>, vector<1x2000x1xf32>
    %get3A_8 = vector.shape_cast %get3A_7 : vector<1x2000x1xf32> to vector<2000x1xf32>
    %add3A = arith.addf %get3A_3, %get3A_8 : vector<2000x1xf32>
    %add3A_9 = arith.constant 1.000000e+00 : f32
    %add3A_10 = vector.broadcast %add3A_9 : f32 to vector<2000x1xf32>
    %add3A_11 = arith.addf %add3A, %add3A_10 : vector<2000x1xf32>
    %rsqrt3A = math.rsqrt %add3A_11 : vector<2000x1xf32>
    %get3A_12 = arith.constant 0 : index
    %get3A_13 = arith.constant 0 : index
    %get3A_14 = arith.constant 0 : index
    %get3A_15 = vector.load %arg1[%get3A_12, %get3A_13, %get3A_14] : memref<2x2000x128xf32, #tpu.memory_space<vmem>>, vector<1x2000x128xf32>
    %get3A_16 = vector.shape_cast %get3A_15 : vector<1x2000x128xf32> to vector<2000x128xf32>
    %get3A_17 = arith.constant 1 : index
    %get3A_18 = arith.constant 0 : index
    %get3A_19 = arith.constant 0 : index
    %get3A_20 = vector.load %arg1[%get3A_17, %get3A_18, %get3A_19] : memref<2x2000x128xf32, #tpu.memory_space<vmem>>, vector<1x2000x128xf32>
    %get3A_21 = vector.shape_cast %get3A_20 : vector<1x2000x128xf32> to vector<2000x128xf32>
    %add3A_22 = arith.addf %get3A_16, %get3A_21 : vector<2000x128xf32>
    %get3A_23 = arith.constant 0 : index
    %get3A_24 = arith.constant 0 : index
    %get3A_25 = vector.load %arg3[%get3A_23, %get3A_24] : memref<2000x128xf32, #tpu.memory_space<vmem>>, vector<2000x128xf32>
    %add3A_26 = arith.addf %add3A_22, %get3A_25 : vector<2000x128xf32>
    %mul3A = vector.broadcast %rsqrt3A : vector<2000x1xf32> to vector<2000x128xf32>
    %mul3A_27 = arith.mulf %mul3A, %add3A_26 : vector<2000x128xf32>
    %get3A_28 = arith.constant 0 : index
    %get3A_29 = arith.constant 0 : index
    %get3A_30 = vector.load %arg4[%get3A_28, %get3A_29] : memref<1x128xf32, #tpu.memory_space<vmem>>, vector<1x128xf32>
    %add3A_31 = vector.broadcast %get3A_30 : vector<1x128xf32> to vector<2000x128xf32>
    %add3A_32 = arith.addf %mul3A_27, %add3A_31 : vector<2000x128xf32>
    %swap3A = arith.constant 0 : index
    %swap3A_33 = arith.constant 0 : index
    %swap3A_34 = vector.load %arg5[%swap3A, %swap3A_33] : memref<2000x128xf32, #tpu.memory_space<vmem>>, vector<2000x128xf32>
    tpu.vector_store %arg5[%swap3A, %swap3A_33], %add3A_32 {strides = array<i32>} : memref<2000x128xf32, #tpu.memory_space<vmem>>, vector<2000x128xf32>,
    %reshape3A = vector.shape_cast %add3A_32 : vector<2000x128xf32> to vector<250x8x128xf32>
    %reduce_sum3A = arith.constant dense<0.000000e+00> : vector<8x128xf32>
    %reduce_sum3A_35 = vector.multi_reduction <add>, %reshape3A, %reduce_sum3A [0] : vector<250x8x128xf32> to vector<8x128xf32>
    %mul3A_36 = arith.mulf %add3A_32, %add3A_32 : vector<2000x128xf32>
    %reshape3A_37 = vector.shape_cast %mul3A_36 : vector<2000x128xf32> to vector<250x8x128xf32>
    %reduce_sum3A_38 = arith.constant dense<0.000000e+00> : vector<8x128xf32>
    %reduce_sum3A_39 = vector.multi_reduction <add>, %reshape3A_37, %reduce_sum3A_38 [0] : vector<250x8x128xf32> to vector<8x128xf32>
    %eq3A = arith.constant 0 : i32
    %eq3A_40 = arith.cmpi eq, %arg0, %eq3A : i32
    %convert_element_type3A = arith.extui %eq3A_40 : i1 to i32
    %cond3A = arith.constant 0 : i32
    %cond3A_41 = arith.cmpi ne, %convert_element_type3A, %cond3A : i32
    scf.if %cond3A_41 {
      %swap3A_46 = arith.constant 0 : index
      %swap3A_47 = arith.constant 0 : index
      %swap3A_48 = vector.load %arg6[%swap3A_46, %swap3A_47] : memref<8x128xf32, #tpu.memory_space<vmem>>, vector<8x128xf32>
      tpu.vector_store %arg6[%swap3A_46, %swap3A_47], %reduce_sum3A_35 {strides = array<i32>} : memref<8x128xf32, #tpu.memory_space<vmem>>, vector<8x128xf32>,
      %swap3A_49 = arith.constant 0 : index
      %swap3A_50 = arith.constant 0 : index
      %swap3A_51 = vector.load %arg7[%swap3A_49, %swap3A_50] : memref<8x128xf32, #tpu.memory_space<vmem>>, vector<8x128xf32>
      tpu.vector_store %arg7[%swap3A_49, %swap3A_50], %reduce_sum3A_39 {strides = array<i32>} : memref<8x128xf32, #tpu.memory_space<vmem>>, vector<8x128xf32>,
    } else {
    }
    %ne3A = arith.constant 0 : i32
    %ne3A_42 = arith.cmpi ne, %arg0, %ne3A : i32
    %convert_element_type3A_43 = arith.extui %ne3A_42 : i1 to i32
    %cond3A_44 = arith.constant 0 : i32
    %cond3A_45 = arith.cmpi ne, %convert_element_type3A_43, %cond3A_44 : i32
    scf.if %cond3A_45 {
      %get3A_46 = arith.constant 0 : index
      %get3A_47 = arith.constant 0 : index
      %get3A_48 = vector.load %arg6[%get3A_46, %get3A_47] : memref<8x128xf32, #tpu.memory_space<vmem>>, vector<8x128xf32>
      %add3A_49 = arith.addf %get3A_48, %reduce_sum3A_35 : vector<8x128xf32>
      %swap3A_50 = arith.constant 0 : index
      %swap3A_51 = arith.constant 0 : index
      %swap3A_52 = vector.load %arg6[%swap3A_50, %swap3A_51] : memref<8x128xf32, #tpu.memory_space<vmem>>, vector<8x128xf32>
      tpu.vector_store %arg6[%swap3A_50, %swap3A_51], %add3A_49 {strides = array<i32>} : memref<8x128xf32, #tpu.memory_space<vmem>>, vector<8x128xf32>,
      %get3A_53 = arith.constant 0 : index
      %get3A_54 = arith.constant 0 : index
      %get3A_55 = vector.load %arg7[%get3A_53, %get3A_54] : memref<8x128xf32, #tpu.memory_space<vmem>>, vector<8x128xf32>
      %add3A_56 = arith.addf %get3A_55, %reduce_sum3A_39 : vector<8x128xf32>
      %swap3A_57 = arith.constant 0 : index
      %swap3A_58 = arith.constant 0 : index
      %swap3A_59 = vector.load %arg7[%swap3A_57, %swap3A_58] : memref<8x128xf32, #tpu.memory_space<vmem>>, vector<8x128xf32>
      tpu.vector_store %arg7[%swap3A_57, %swap3A_58], %add3A_56 {strides = array<i32>} : memref<8x128xf32, #tpu.memory_space<vmem>>, vector<8x128xf32>,
    } else {
    }
    return
  }
  func.func @transform_0(%arg0: i32) -> (i32, i32, i32) {
    %c0_i32 = arith.constant 0 : i32
    %c0_i32_0 = arith.constant 0 : i32
    %c0_i32_1 = arith.constant 0 : i32
    return %c0_i32, %arg0, %c0_i32_0 : i32, i32, i32
  }
  func.func @transform_1(%arg0: i32) -> (i32, i32, i32) {
    %c0_i32 = arith.constant 0 : i32
    %c0_i32_0 = arith.constant 0 : i32
    %c0_i32_1 = arith.constant 0 : i32
    return %c0_i32, %arg0, %c0_i32_0 : i32, i32, i32
  }
  func.func @transform_2(%arg0: i32) -> (i32, i32) {
    %c0_i32 = arith.constant 0 : i32
    %c0_i32_0 = arith.constant 0 : i32
    return %arg0, %c0_i32 : i32, i32
  }
  func.func @transform_3(%arg0: i32) -> (i32, i32) {
    %c0_i32 = arith.constant 0 : i32
    %c0_i32_0 = arith.constant 0 : i32
    %c0_i32_1 = arith.constant 0 : i32
    return %c0_i32, %c0_i32_0 : i32, i32
  }
  func.func @transform_4(%arg0: i32) -> (i32, i32) {
    %c0_i32 = arith.constant 0 : i32
    %c0_i32_0 = arith.constant 0 : i32
    return %arg0, %c0_i32 : i32, i32
  }
  func.func @transform_5(%arg0: i32) -> (i32, i32) {
    %c0_i32 = arith.constant 0 : i32
    %c0_i32_0 = arith.constant 0 : i32
    %c0_i32_1 = arith.constant 0 : i32
    return %c0_i32, %c0_i32_0 : i32, i32
  }
  func.func @transform_6(%arg0: i32) -> (i32, i32) {
    %c0_i32 = arith.constant 0 : i32
    %c0_i32_0 = arith.constant 0 : i32
    %c0_i32_1 = arith.constant 0 : i32
    return %c0_i32, %c0_i32_0 : i32, i32
  }
}

module attributes {stable_mosaic.version = 14 : i64} {
  func.func @_norm_body(%arg0: i32, %arg1: memref<2000x128xf32, #tpu.memory_space<vmem>>, %arg2: memref<8x128xf32, #tpu.memory_space<vmem>>, %arg3: memref<8x128xf32, #tpu.memory_space<vmem>>, %arg4: memref<1x128xf32, #tpu.memory_space<vmem>>, %arg5: memref<1x128xf32, #tpu.memory_space<vmem>>, %arg6: memref<1x128xf32, #tpu.memory_space<vmem>>, %arg7: memref<2000x128xf32, #tpu.memory_space<vmem>>) attributes {dimension_semantics = [#tpu.dimension_semantics<arbitrary>], iteration_bounds = array<i64: 5>, scalar_prefetch = 0 : i64, scratch_operands = 0 : i64, tpu.core_type = #tpu.core_type<tc>, window_params = [{transform_indices = @transform_0, window_bounds = array<i64: 2000, 128>}, {pipeline_mode = #tpu.pipeline_mode<synchronous>, transform_indices = @transform_1, window_bounds = array<i64: 8, 128>}, {pipeline_mode = #tpu.pipeline_mode<synchronous>, transform_indices = @transform_2, window_bounds = array<i64: 8, 128>}, {pipeline_mode = #tpu.pipeline_mode<synchronous>, transform_indices = @transform_3, window_bounds = array<i64: 1, 128>}, {pipeline_mode = #tpu.pipeline_mode<synchronous>, transform_indices = @transform_4, window_bounds = array<i64: 1, 128>}, {pipeline_mode = #tpu.pipeline_mode<synchronous>, transform_indices = @transform_5, window_bounds = array<i64: 1, 128>}, {transform_indices = @transform_6, window_bounds = array<i64: 2000, 128>}]} {
    %get3A = arith.constant 0 : index
    %get3A_0 = arith.constant 0 : index
    %get3A_1 = vector.load %arg2[%get3A, %get3A_0] : memref<8x128xf32, #tpu.memory_space<vmem>>, vector<8x128xf32>
    %reduce_sum3A = arith.constant dense<0.000000e+00> : vector<128xf32>
    %reduce_sum3A_2 = vector.multi_reduction <add>, %get3A_1, %reduce_sum3A [0] : vector<8x128xf32> to vector<128xf32>
    %broadcast_in_dim3A = vector.shape_cast %reduce_sum3A_2 : vector<128xf32> to vector<1x128xf32>
    %div3A = arith.constant 1.000000e+04 : f32
    %div3A_3 = vector.broadcast %div3A : f32 to vector<1x128xf32>
    %div3A_4 = arith.divf %broadcast_in_dim3A, %div3A_3 : vector<1x128xf32>
    %get3A_5 = arith.constant 0 : index
    %get3A_6 = arith.constant 0 : index
    %get3A_7 = vector.load %arg3[%get3A_5, %get3A_6] : memref<8x128xf32, #tpu.memory_space<vmem>>, vector<8x128xf32>
    %reduce_sum3A_8 = arith.constant dense<0.000000e+00> : vector<128xf32>
    %reduce_sum3A_9 = vector.multi_reduction <add>, %get3A_7, %reduce_sum3A_8 [0] : vector<8x128xf32> to vector<128xf32>
    %broadcast_in_dim3A_10 = vector.shape_cast %reduce_sum3A_9 : vector<128xf32> to vector<1x128xf32>
    %div3A_11 = arith.constant 1.000000e+04 : f32
    %div3A_12 = vector.broadcast %div3A_11 : f32 to vector<1x128xf32>
    %div3A_13 = arith.divf %broadcast_in_dim3A_10, %div3A_12 : vector<1x128xf32>
    %get3A_14 = arith.constant 0 : index
    %get3A_15 = arith.constant 0 : index
    %get3A_16 = vector.load %arg6[%get3A_14, %get3A_15] : memref<1x128xf32, #tpu.memory_space<vmem>>, vector<1x128xf32>
    %mul3A = arith.constant 2.000000e+00 : f32
    %mul3A_17 = vector.broadcast %mul3A : f32 to vector<1x128xf32>
    %mul3A_18 = arith.mulf %mul3A_17, %get3A_16 : vector<1x128xf32>
    %mul3A_19 = arith.mulf %get3A_16, %get3A_16 : vector<1x128xf32>
    %sub3A = arith.subf %mul3A_18, %mul3A_19 : vector<1x128xf32>
    %mul3A_20 = arith.mulf %sub3A, %div3A_4 : vector<1x128xf32>
    %mul3A_21 = arith.mulf %mul3A_20, %div3A_4 : vector<1x128xf32>
    %sub3A_22 = arith.subf %div3A_13, %mul3A_21 : vector<1x128xf32>
    %get3A_23 = arith.constant 0 : index
    %get3A_24 = arith.constant 0 : index
    %get3A_25 = vector.load %arg1[%get3A_23, %get3A_24] : memref<2000x128xf32, #tpu.memory_space<vmem>>, vector<2000x128xf32>
    %mul3A_26 = arith.mulf %get3A_16, %div3A_4 : vector<1x128xf32>
    %sub3A_27 = vector.broadcast %mul3A_26 : vector<1x128xf32> to vector<2000x128xf32>
    %sub3A_28 = arith.subf %get3A_25, %sub3A_27 : vector<2000x128xf32>
    %get3A_29 = arith.constant 0 : index
    %get3A_30 = arith.constant 0 : index
    %get3A_31 = vector.load %arg4[%get3A_29, %get3A_30] : memref<1x128xf32, #tpu.memory_space<vmem>>, vector<1x128xf32>
    %mul3A_32 = vector.broadcast %get3A_31 : vector<1x128xf32> to vector<2000x128xf32>
    %mul3A_33 = arith.mulf %mul3A_32, %sub3A_28 : vector<2000x128xf32>
    %add3A = arith.constant 9.99999974E-6 : f32
    %add3A_34 = vector.broadcast %add3A : f32 to vector<1x128xf32>
    %add3A_35 = arith.addf %sub3A_22, %add3A_34 : vector<1x128xf32>
    %rsqrt3A = math.rsqrt %add3A_35 : vector<1x128xf32>
    %mul3A_36 = vector.broadcast %rsqrt3A : vector<1x128xf32> to vector<2000x128xf32>
    %mul3A_37 = arith.mulf %mul3A_33, %mul3A_36 : vector<2000x128xf32>
    %get3A_38 = arith.constant 0 : index
    %get3A_39 = arith.constant 0 : index
    %get3A_40 = vector.load %arg5[%get3A_38, %get3A_39] : memref<1x128xf32, #tpu.memory_space<vmem>>, vector<1x128xf32>
    %add3A_41 = vector.broadcast %get3A_40 : vector<1x128xf32> to vector<2000x128xf32>
    %add3A_42 = arith.addf %mul3A_37, %add3A_41 : vector<2000x128xf32>
    %ge3A = arith.constant 0.000000e+00 : f32
    %ge3A_43 = vector.broadcast %ge3A : f32 to vector<2000x128xf32>
    %ge3A_44 = arith.cmpf oge, %add3A_42, %ge3A_43 : vector<2000x128xf32>
    %mul3A_45 = arith.constant 0.00999999977 : f32
    %mul3A_46 = vector.broadcast %mul3A_45 : f32 to vector<2000x128xf32>
    %mul3A_47 = arith.mulf %mul3A_46, %add3A_42 : vector<2000x128xf32>
    %select_n3A = arith.select %ge3A_44, %add3A_42, %mul3A_47 : vector<2000x128xi1>, vector<2000x128xf32>
    %swap3A = arith.constant 0 : index
    %swap3A_48 = arith.constant 0 : index
    %swap3A_49 = vector.load %arg7[%swap3A, %swap3A_48] : memref<2000x128xf32, #tpu.memory_space<vmem>>, vector<2000x128xf32>
    tpu.vector_store %arg7[%swap3A, %swap3A_48], %select_n3A {strides = array<i32>} : memref<2000x128xf32, #tpu.memory_space<vmem>>, vector<2000x128xf32>,
    return
  }
  func.func @transform_0(%arg0: i32) -> (i32, i32) {
    %c0_i32 = arith.constant 0 : i32
    %c0_i32_0 = arith.constant 0 : i32
    return %arg0, %c0_i32 : i32, i32
  }
  func.func @transform_1(%arg0: i32) -> (i32, i32) {
    %c0_i32 = arith.constant 0 : i32
    %c0_i32_0 = arith.constant 0 : i32
    %c0_i32_1 = arith.constant 0 : i32
    return %c0_i32, %c0_i32_0 : i32, i32
  }
  func.func @transform_2(%arg0: i32) -> (i32, i32) {
    %c0_i32 = arith.constant 0 : i32
    %c0_i32_0 = arith.constant 0 : i32
    %c0_i32_1 = arith.constant 0 : i32
    return %c0_i32, %c0_i32_0 : i32, i32
  }
  func.func @transform_3(%arg0: i32) -> (i32, i32) {
    %c0_i32 = arith.constant 0 : i32
    %c0_i32_0 = arith.constant 0 : i32
    %c0_i32_1 = arith.constant 0 : i32
    return %c0_i32, %c0_i32_0 : i32, i32
  }
  func.func @transform_4(%arg0: i32) -> (i32, i32) {
    %c0_i32 = arith.constant 0 : i32
    %c0_i32_0 = arith.constant 0 : i32
    %c0_i32_1 = arith.constant 0 : i32
    return %c0_i32, %c0_i32_0 : i32, i32
  }
  func.func @transform_5(%arg0: i32) -> (i32, i32) {
    %c0_i32 = arith.constant 0 : i32
    %c0_i32_0 = arith.constant 0 : i32
    %c0_i32_1 = arith.constant 0 : i32
    return %c0_i32, %c0_i32_0 : i32, i32
  }
  func.func @transform_6(%arg0: i32) -> (i32, i32) {
    %c0_i32 = arith.constant 0 : i32
    %c0_i32_0 = arith.constant 0 : i32
    return %arg0, %c0_i32 : i32, i32
  }
}

</mosaic_0001>

<sc_bundles>
// kernel: kernel.11.cloned.1.call-start
scs
__scs_entry_jumppad:
0x0: {  	(pc) =	sbr.rel $0x88, $3  }
0x1: {  	(tag) =	ssettag $0x0;
	lr =	simm.s32 $0x1  }
0x2: {  	[smem:$0x3F9A] =	sst lr;
	_ =	strace $0xD0000000  }
0x3: {  	_ = 	snop  }
0x4: {  	_ = 	snop  }
0x5: {  	_ = 	snop  }
0x6: {  	_ = 	snop  }
0x7: {  	_ = 	snop  }
__scs_overlays_trampoline_lowered:
0x8: {  	[smem:$0x3FA9] =	sst s0  }
0x9: {  	[smem:$0x3FAA] =	sst s1  }
0xa: {  	[smem:$0x3FAB] =	sst s2  }
0xb: {  	[smem:$0x3FAC] =	sst s3  }
0xc: {  	[smem:$0x3FAD] =	sst s4  }
0xd: {  	[smem:$0x3FAE] =	sst s5  }
0xe: {  	[smem:$0x3FAF] =	sst s6  }
0xf: {  	[smem:$0x3FB0] =	sst s7  }
0x10: {  	[smem:$0x3FB1] =	sst s8  }
0x11: {  	[smem:$0x3FB2] =	sst s9;
	s0 =	simm.s32 @!p0 $0x0  }
0x12: {  	s1 =	sld [smem:$0x3F98];
	s0 =	simm.s32 @p0 $0x1  }
0x13: {  	[smem:$0x3FB3] =	sst s0;
	s0 =	simm.s32 @!p1 $0x0  }
0x14: {  	s2 =	sld [smem:$0x3F97];
	s0 =	simm.s32 @p1 $0x1  }
0x15: {  	[smem:$0x3FB4] =	sst s0;
	s0 =	simm.s32 @!p2 $0x0  }
0x16: {  	s3 =	sld [smem:$0x3FDB];
	s0 =	simm.s32 @p2 $0x1  }
0x17: {  	s4 =	simm.s32 $0x1BF5;
	[smem:$0x3FB6] =	sst s0  }
0x18: {  	s0 =	sld [smem:$0x3F99];
	_ =	swait.ge [sflag:s4], $0x0  }
0x19: {  	s7 =	sld [smem:$0x3F9A]  }
0x1a: {  	s8 =	sadd.s32 $0xFFFFE003, lr  }
0x1b: {  	s9 =	sadd.s32 $0xFFFFFEF7, lr;
	s5 =	simm.s32 $0xFFFFFFFF;
	p2 =	slt.u32 s8, $0xFFFFF086  }
0x1c: {  	p1 =	slt.u32 s9, $0xF7A;
	s5 =	simm.s32 @!p2 $0x0  }
0x1d: {  	s5 =	simm.s32 @p1 $0x1;
	p0 =	seq.s32 s7, s2  }
0x1e: {  	s7 =	smul.u32 @!p0 $0xF7A, s2;
	p2 =	seq.s32 @!p0 s5, $0x0  }
0x1f: {  	s9 =	smul.u32 $0xF7A, s1;
	s8 =	simm.s32 @!p0 $0x1BF5;
	p2 =	por !p2, p0  }
0x20: {  	[sflag:s8] =	ssyncset.s32 @!p0 $0xFFFFF086;
	s6 =	sadd.s32 @!p0 s3, s7;
	s7 =	simm.s32 @!p0 $0x108  }
0x21: {  	s3 =	sadd.s32 s3, s9;
	s6 =	sadd.s32 @!p0 $0x88, s6;
	s7 =	simm.s32 @p2 $0x1082  }
0x22: {  	[simem:s7], [sflag:s8] =	dma.local @!p0 [hbm:s6], $0xF7A  }
0x23: {  	s9 =	sor.u32 $0xD0000000, s2;
	s6 =	simm.s32 $0x108;
	_ =	swait.ge @!p0 [sflag:s8], $0x0  }
0x24: {  	s3 =	sadd.s32 $0x88, s3;
	s6 =	simm.s32 @!p1 $0x1082;
	[sflag:s4] =	ssyncset.s32 $0xFFFFF086  }
0x25: {  	[simem:s6], [sflag:s4] =	dma.local [hbm:s3], $0xF7A  }
0x26: {  	[smem:$0x3F9A] =	sst s1;
	(tag) =	ssettag s2;
	_ =	strace s9  }
0x27: {  	s1 =	sld [smem:$0x3FAA]  }
0x28: {  	s2 =	sld [smem:$0x3FAB]  }
0x29: {  	s4 =	sld [smem:$0x3FAD]  }
0x2a: {  	p0 =	seq.s32 s5, $0x0;
	s5 =	sld [smem:$0x3FAE]  }
0x2b: {  	s6 =	sld [smem:$0x3FAF]  }
0x2c: {  	s7 =	sld [smem:$0x3FB0]  }
0x2d: {  	s3 =	simm.s32 $0x108;
	s8 =	sld [smem:$0x3FB1]  }
0x2e: {  	s3 =	simm.s32 @!p0 $0x1082;
	s9 =	sld [smem:$0x3FB2]  }
0x2f: {  	lr =	sadd.s32 s0, s3;
	s0 =	sld [smem:$0x3FA9]  }
0x30: {  	s3 =	sld [smem:$0x3FAC]  }
0x31: {  	[smem:$0x3FB5] =	sst s10  }
0x32: {  	s10 =	sld [smem:$0x3FB3];
	_ =	sdelay $0x3  }
0x33: {  	p0 =	seq.s32 s10, $0x1;
	s10 =	sld [smem:$0x3FB5];
	_ =	sdelay $0x3  }
0x34: {  	[smem:$0x3FB5] =	sst s10  }
0x35: {  	s10 =	sld [smem:$0x3FB4];
	_ =	sdelay $0x3  }
0x36: {  	p1 =	seq.s32 s10, $0x1;
	s10 =	sld [smem:$0x3FB5];
	_ =	sdelay $0x3  }
0x37: {  	[smem:$0x3FB5] =	sst s10  }
0x38: {  	s10 =	sld [smem:$0x3FB6]  }
0x39: {  	_ = 	snop;
	(pc) =	sbr.ind lr, $3  }
0x3a: {  	_ = 	snop  }
0x3b: {  	_ = 	snop  }
0x3c: {  	p2 =	seq.s32 s10, $0x1;
	s10 =	sld [smem:$0x3FB5]  }
0x3d: {  	_ =	shalt  }
0x3e: {  	_ =	shalt  }
0x3f: {  	_ =	shalt  }
0x40: {  	_ =	shalt  }
0x41: {  	_ =	shalt  }
0x42: {  	_ =	shalt  }
0x43: {  	_ =	shalt  }
0x44: {  	_ =	shalt  }
0x45: {  	_ =	shalt  }
0x46: {  	_ =	shalt  }
0x47: {  	_ =	shalt  }
0x48: {  	_ =	shalt  }
0x49: {  	_ =	shalt  }
0x4a: {  	_ =	shalt  }
0x4b: {  	_ =	shalt  }
0x4c: {  	_ =	shalt  }
0x4d: {  	_ =	shalt  }
0x4e: {  	_ =	shalt  }
0x4f: {  	_ =	shalt  }
0x50: {  	_ =	shalt  }
0x51: {  	_ =	shalt  }
0x52: {  	_ =	shalt  }
0x53: {  	_ =	shalt  }
0x54: {  	_ =	shalt  }
0x55: {  	_ =	shalt  }
0x56: {  	_ =	shalt  }
0x57: {  	_ =	shalt  }
0x58: {  	_ =	shalt  }
0x59: {  	_ =	shalt  }
0x5a: {  	_ =	shalt  }
0x5b: {  	_ =	shalt  }
0x5c: {  	_ =	shalt  }
0x5d: {  	_ =	shalt  }
0x5e: {  	_ =	shalt  }
0x5f: {  	_ =	shalt  }
0x60: {  	_ =	shalt  }
0x61: {  	_ =	shalt  }
0x62: {  	_ =	shalt  }
0x63: {  	_ =	shalt  }
0x64: {  	_ =	shalt  }
0x65: {  	_ =	shalt  }
0x66: {  	_ =	shalt  }
0x67: {  	_ =	shalt  }
0x68: {  	_ =	shalt  }
0x69: {  	_ =	shalt  }
0x6a: {  	_ =	shalt  }
0x6b: {  	_ =	shalt  }
0x6c: {  	_ =	shalt  }
0x6d: {  	_ =	shalt  }
0x6e: {  	_ =	shalt  }
0x6f: {  	_ =	shalt  }
0x70: {  	_ =	shalt  }
0x71: {  	_ =	shalt  }
0x72: {  	_ =	shalt  }
0x73: {  	_ =	shalt  }
0x74: {  	_ =	shalt  }
0x75: {  	_ =	shalt  }
0x76: {  	_ =	shalt  }
0x77: {  	_ =	shalt  }
0x78: {  	_ =	shalt  }
0x79: {  	_ =	shalt  }
0x7a: {  	_ =	shalt  }
0x7b: {  	_ =	shalt  }
0x7c: {  	_ =	shalt  }
0x7d: {  	_ =	shalt  }
0x7e: {  	_ =	shalt  }
0x7f: {  	_ =	shalt  }
0x80: {  	_ =	shalt  }
0x81: {  	_ =	shalt  }
0x82: {  	_ =	shalt  }
0x83: {  	_ =	shalt  }
0x84: {  	_ =	shalt  }
0x85: {  	_ =	shalt  }
0x86: {  	_ =	shalt  }
0x87: {  	_ =	shalt  }
.Lfunc_end0:
.L_simem_size_0:
called_computation.1_lowered:
.L_overlay_start_0:
0x88: {  	s2 =	sld [smem:$0x3FD9]  }
0x89: {  	s3 =	sld [smem:$0x3FFE];
	_ =	sdelay $0x1  }
0x8a: {  	s1 =	srdreg.scid  }
0x8b: {  	s0 =	sand.u32 $0x1, s1  }
0x8c: {  	s14 =	sshll.u32 s0, $0xA;
	s2 =	sadd.s32 s3, s2  }
0x8d: {  	s2 =	sadd.s32 s2, s14  }
0x8e: {  	[smem:$0x3FC1] =	sst s2  }
0x8f: {  	_ = 	snop  }
0x90: {  	s2 =	sld [smem:$0x3FD0];
	_ =	sdelay $0x2  }
0x91: {  	s15 =	simm.s32 $0xA;
	s4 =	simm.s32 $0x10  }
0x92: {  	[smem:s4], [sflag:s15] =	dma.local [hbm:s2], $0x1  }
0x93: {  	_ =	swait.eq [sflag:s15], $0x1  }
0x94: {  	[sflag:s15] =	ssyncset.done $0x0  }
0x95: {  	s16 =	sld [smem:$0x10];
	[sflag:s15] =	ssyncadd.s32 $0xFFFFFFFF  }
0x96: {  	s17 =	sld [smem:$0x11];
	(tm) =	ssettm $0x1  }
0x97: {  	s18 =	sld [smem:$0x3FFB];
	_ =	sdelay $0x3  }
0x98: {  	_ =	strace s18  }
0x99: {  	s4 =	sld [smem:$0x3FFC];
	_ =	sdelay $0x3  }
0x9a: {  	_ =	strace s4  }
0x9b: {  	s4 =	sld [smem:$0x3FFD];
	_ =	sdelay $0x3  }
0x9c: {  	_ =	strace s4  }
0x9d: {  	_ =	strace $0x8FFFFFFF  }
0x9e: {  	s19 =	sld [smem:$0x3FDB];
	_ =	sdelay $0x1  }
0x9f: {  	s5 =	simm.s32 $_scs_section_size  }
0xa0: {  	s6 =	simm.s32 $_size__tile_overlayer_lowered;
	s7 =	simm.s32 $_tile_overlayer_lowered  }
0xa1: {  	s22 =	simm.s32 $0x1BFF;
	s21 =	sshll.u32 s7, $0x1;
	s4 =	sadd.s32 s5, s19  }
0xa2: {  	s8 =	simm.s32 $0x0;
	s20 =	sshll.u32 s6, $0x1;
	s6 =	sadd.s32 s21, s4  }
0xa3: {  	[timem:s8], [sflag:s22] =	dma.local [hbm:s6], s20  }
0xa4: {  	_ =	swait.ge [sflag:s22], s20  }
0xa5: {  	s5 =	ssub.s32 $0x0, s20;
	[sflag:s22] =	ssyncset.done $0x0  }
0xa6: {  	[sflag:s22] =	ssyncadd.s32 s5;
	_ =	sdelay $0x1  }
0xa7: {  	s23 =	simm.s32 $0x1B8B  }
0xa8: {  	_ =	swait.ge [sflag:s23], $0x1  }
0xa9: {  	[sflag:s23] =	ssyncset.done $0x0  }
0xaa: {  	s25 =	simm.s32 $0x1B8E;
	s24 =	sld [smem:$0x3FFE];
	[sflag:s23] =	ssyncadd.s32 $0xFFFFFFFF  }
0xab: {  	s26 =	simm.s32 $execute0_lowered;
	[smem:$0x3FD2] =	sst s25  }
0xac: {  	s6 =	sshll.u32 s26, $0x1;
	_ =	strace $0x80000049;
	[dreg:$0x1] =	wrdreg $0xFFFFFFFF  }
0xad: {  	s28 =	simm.s32 $_size_execute0_lowered;
	s4 =	sadd.s32 s4, s6;
	[dreg:$0x0] =	wrdreg $0x0  }
0xae: {  	s6 =	sshll.u32 s28, $0x1;
	[dreg:$0x2] =	wrdreg s4  }
0xaf: {  	[dreg:$0x3] =	wrdreg s6  }
0xb0: {  	[dreg:$0x4] =	wrdreg $0xC0  }
0xb1: {  	_ =	task [dreg:s8], $0x5FFFF  }
0xb2: {  	[dreg:$0x1] =	wrdreg $0xFFFFFFFF  }
0xb3: {  	[dreg:$0x0] =	wrdreg $0x60  }
0xb4: {  	[dreg:$0x2] =	wrdreg s16  }
0xb5: {  	[dreg:$0x3] =	wrdreg s24  }
0xb6: {  	[dreg:$0x4] =	wrdreg s17  }
0xb7: {  	[dreg:$0x5] =	wrdreg $0x0  }
0xb8: {  	[dreg:$0x6] =	wrdreg $0x9  }
0xb9: {  	_ =	task.clear_ibuf [dreg:s8], $0x7FFFF;
	_ =	strace $0x90000049  }
0xba: {  	s29 =	simm.s32 $0x9;
	_ =	strace $0x8000004B  }
0xbb: {  	_ =	swait.ge [sflag:s29], $0x1  }
0xbc: {  	[sflag:s29] =	ssyncadd.s32 $0xFFFFFFFF  }
0xbd: {  	_ =	strace $0x9000004B  }
0xbe: {  	_ =	sfence  }
0xbf: {  	s30 =	sld [smem:$0x0];
	_ =	sdelay $0x2  }
0xc0: {  	s31 =	sshll.u32 s1, $0xD;
	s1 =	sshrl.u32 s1, $0x2  }
0xc1: {  	s3 =	sand.u32 $0x4000, s31;
	s1 =	sadd.s32 s1, s30  }
0xc2: {  	s0 =	sor.u32 s3, s0;
	s1 =	sshll.u32 s1, $0x11  }
0xc3: {  	s0 =	sor.u32 s1, s0  }
0xc4: {  	s0 =	sadd.s32 $0x8F2B, s0  }
0xc5: {  	[sflag:s0] =	ssyncadd.remote.s32 $0x1  }
0xc6: {  	_ =	sfence.sel $0xFFFF  }
0xc7: {  	[dreg:$0x0] =	wrdreg $0xFFFFFFFF;
	(pc) =	sbr.abs _section_cstart, $3  }
0xc8: {  	[dreg:$0x1] =	wrdreg $0xFFFFFFFF  }
0xc9: {  	_ =	task.clear_ibuf [dreg:s8], $0x2FFFF;
	_ =	strace $0x9FFFFFFF  }
0xca: {  	(tm) =	ssettm $0x7FFFFFFF  }
0xcb: {  	_ =	shalt  }
tec
execute0_lowered:
.L_overlay_start_1:
0x0: {  	(tag) =	ssettag $0x1  }
0x1: {  	s10 =	rddreg [dreg:$0x0]  }
0x2: {  	s6 =	rddreg [dreg:$0x1]  }
0x3: {  	s1 =	rddreg [dreg:$0x2]  }
0x4: {  	s3 =	rddreg [dreg:$0x3]  }
0x5: {  	s0 =	rddreg [dreg:$0x4];
	s4 =	simm.s32 $0x0;
	s5 =	srdreg.scid  }
0x6: {  	s2 =	stileid.u32;
	s14 =	simm.s32 $0x80;
	s15 =	simm.s32 $0x14100  }
0x7: {  	s16 =	simm.s32 $0x1;
	s17 =	simm.s32 $0x14080;
	s8 =	smul.u32 $0x2800, s2  }
0x8: {  	s18 =	simm.s32 $0x0;
	[smem:$0x7FF] =	sst s4;
	s12 =	smul.u32 $0x3F, s2  }
0x9: {  	s7 =	sand.u32 $0x1, s5;
	s5 =	sadd.s32 $0x52600, s6;
	s13 =	smul.u32 $0x5F, s2  }
0xa: {  	s28 =	smul.u32 $0x50000, s2;
	s29 =	sshll.u32 s2, $0x6;
	_ =	strace $0x8000004A  }
0xb: {  	s9 =	smul.u32 $0x28000, s7;
	s11 =	ssub.s32 $0x2, s7;
	p0 =	seq.s32 s7, $0x0  }
0xc: {  	s26 =	sshrl.u32 s11, $0x1;
	s12 =	sadd.s32 $0x5F0, s12;
	s7 =	sshrl.u32 s28, $0x2  }
0xd: {  	s8 =	sadd.s32 s8, s9;
	s9 =	ssub.s32 s11, s26;
	s12 =	smov.u32 @p0 s13  }
0xe: {  	s30 =	sadd.s32 s7, s3;
	s7 =	sor.u32 $0x1C02, s29;
	s13 =	simm.s32 $0x14000  }
0xf: {  	s8 =	sadd.s32 s8, s6;
	s6 =	simm.s32 $0x5F;
	s9 =	smax.u32 s9, $0x1  }
0x10: {  	s31 =	sshll.u32 s12, $0x5;
	s11 =	sshrl.u32 s30, $0x3;
	s12 =	simm.s32 $0x2  }
0x11: {  	s6 =	simm.s32 @!p0 $0x3F;
	s8 =	sadd.s32 $0x7A600, s8;
	s10 =	sadd.s32 s31, s10  }
.LBB2_1:
0x12: {  	[spmem:s11], [sflag:s7] =	dma.local [hbm:s1], $0x2800  }
0x13: {  	_ =	swait.ge [sflag:s12], $0x2800  }
0x14: {  	[sflag:s12] =	ssyncset.done $0x0  }
0x15: {  	[sflag:s12] =	ssyncadd.s32 $0xFFFFD800  }
0x16: {  	[bflag:$0x0] =	sbarrier.arrive $0xFFFF  }
0x17: {  	[tilespmem:s13], [sflag:$0x2] =	stream.linear.gather [hbm4b:s10+s4], $0x100, $0x38;
	[tilespmem:$0x18100] =	vst v63  }
0x18: {  	_ =	swait.ge [sflag:s12], $0x100  }
0x19: {  	[sflag:s12] =	ssyncset.done $0x0  }
0x1a: {  	[sflag:s12] =	ssyncadd.s32 $0xFFFFFF00  }
0x1b: {  	[tilespmem:s15], [sflag:$0x1] =	stream.indirect.gather [hbm4b:s5+s14], $0x80, s13, s14, $0xb8;
	[tilespmem:$0x18100] =	vst v63  }
0x1c: {  	p0 =	sne.s32 s6, $0x1;
	_ =	swait.ge [sflag:s16], $0x4000  }
.Ltmp0:
0x1d: {  	[sflag:s16] =	ssyncset.done $0x0;
	(pc) =	sbr.rel @!p0 .LBB2_3-.Ltmp0, $4  }
0x1e: {  	[sflag:s16] =	ssyncadd.s32 $0xFFFFC000  }
0x1f: {  	[spmem:s3] =	stream.indirect.scatter.add.f32 [tilespmem:s15], [sflag:$0x2], $0x80, s17, s14, $0xb8;
	[tilespmem:$0x18100] =	vst v63  }
0x20: {  	_ =	swait.ge [sflag:s12], $0x4000  }
0x21: {  	s19 =	sadd.s32 $0xFFFFFFFF, s6;
	s20 =	smov.u32 s10;
	[sflag:s12] =	ssyncset.done $0x0  }
.LBB2_2:
0x22: {  	p0 =	sne.s32 s19, $0x1;
	[sflag:s12] =	ssyncadd.s32 $0xFFFFC000;
	s20 =	sadd.s32 $0x20, s20  }
0x23: {  	[tilespmem:s13], [sflag:$0x2] =	stream.linear.gather [hbm4b:s20+s4], $0x100, $0x38;
	[tilespmem:$0x18100] =	vst v63  }
0x24: {  	s19 =	sadd.s32 $0xFFFFFFFF, s19;
	_ =	swait.ge [sflag:s12], $0x100  }
0x25: {  	[sflag:s12] =	ssyncset.done $0x0  }
0x26: {  	[sflag:s12] =	ssyncadd.s32 $0xFFFFFF00  }
0x27: {  	[tilespmem:s15], [sflag:$0x1] =	stream.indirect.gather [hbm4b:s5+s14], $0x80, s13, s14, $0xb8;
	[tilespmem:$0x18100] =	vst v63  }
0x28: {  	_ =	swait.ge [sflag:s16], $0x4000  }
.Ltmp1:
0x29: {  	[sflag:s16] =	ssyncset.done $0x0;
	(pc) =	sbr.rel @p0 .LBB2_2-.Ltmp1, $4  }
0x2a: {  	[sflag:s16] =	ssyncadd.s32 $0xFFFFC000  }
0x2b: {  	[spmem:s3] =	stream.indirect.scatter.add.f32 [tilespmem:s15], [sflag:$0x2], $0x80, s17, s14, $0xb8;
	[tilespmem:$0x18100] =	vst v63  }
0x2c: {  	_ =	swait.ge [sflag:s12], $0x4000  }
0x2d: {  	[sflag:s12] =	ssyncset.done $0x0  }
.LBB2_3:
0x2e: {  	s18 =	sadd.s32 $0x1, s18  }
0x2f: {  	[sflag:s12] =	ssyncadd.s32 $0xFFFFC000;
	p0 =	sne.s32 s18, s9  }
.Ltmp2:
0x30: {  	[bflag:$0x0] =	sbarrier.arrive $0xFFFF;
	(pc) =	sbr.rel @p0 .LBB2_1-.Ltmp2, $4  }
0x31: {  	[hbm:s8], [sflag:s7] =	dma.local [spmem:s11], $0x2800  }
0x32: {  	_ =	swait.ge [sflag:s12], $0x2800  }
0x33: {  	[sflag:s12] =	ssyncset.done $0x0  }
0x34: {  	[sflag:s12] =	ssyncadd.s32 $0xFFFFD800  }
0x35: {  	_ =	sfence.sel $0x180000  }
0x36: {  	[bflag:$0x0] =	sbarrier.arrive $0xFFFF  }
0x37: {  	p0 =	sne.s32 s2, $0x0;
	_ =	strace $0x9000004A  }
0x38: {  	s0 =	sadd.s32 @!p0 $0x100000, s0;
	[bflag:$0x2] =	sbarrier.arrive $0xFFFF  }
0x39: {  	[sflag:s0] =	ssyncadd.tile.s32 @!p0 $0x1;
	_ =	shalt  }
.Lfunc_end2:
_tile_overlayer_lowered:
.L_overlay_start_2:
0x3a: {  	(tag) =	ssettag $0x2  }
0x3b: {  	s0 =	rddreg [dreg:$0x0];
	s2 =	stileid.u32  }
0x3c: {  	s1 =	rddreg [dreg:$0x1];
	p0 =	sne.s32 s2, $0x0  }
0x3d: {  	s3 =	rddreg [dreg:$0x2];
	[bflag:$0x3] =	sbarrier.arrive $0xFFFF;
	s2 =	simm.s32 @!p0 $0x1C02  }
0x3e: {  	[timem:s3], [sflag:s2] =	dma.local @!p0 [hbm:s0], s1  }
0x3f: {  	s0 =	simm.s32 @!p0 $0x2  }
0x40: {  	_ =	swait.ge @!p0 [sflag:s0], s1  }
0x41: {  	s1 =	ssub.s32 @!p0 $0x0, s1;
	[sflag:s0] =	ssyncset.done @!p0 $0x0  }
0x42: {  	[sflag:s0] =	ssyncadd.s32 @!p0 s1  }
0x43: {  	[bflag:$0x3] =	sbarrier.arrive $0xFFFF  }
0x44: {  	_ =	shalt  }

// kernel: kernel.8.cloned.1.call-start
scs
__scs_entry_jumppad:
0x0: {  	(pc) =	sbr.rel $0x88, $3  }
0x1: {  	(tag) =	ssettag $0x0;
	lr =	simm.s32 $0x1  }
0x2: {  	[smem:$0x3F9A] =	sst lr;
	_ =	strace $0xD0000000  }
0x3: {  	_ = 	snop  }
0x4: {  	_ = 	snop  }
0x5: {  	_ = 	snop  }
0x6: {  	_ = 	snop  }
0x7: {  	_ = 	snop  }
__scs_overlays_trampoline_lowered:
0x8: {  	[smem:$0x3FA9] =	sst s0  }
0x9: {  	[smem:$0x3FAA] =	sst s1  }
0xa: {  	[smem:$0x3FAB] =	sst s2  }
0xb: {  	[smem:$0x3FAC] =	sst s3  }
0xc: {  	[smem:$0x3FAD] =	sst s4  }
0xd: {  	[smem:$0x3FAE] =	sst s5  }
0xe: {  	[smem:$0x3FAF] =	sst s6  }
0xf: {  	[smem:$0x3FB0] =	sst s7  }
0x10: {  	[smem:$0x3FB1] =	sst s8  }
0x11: {  	[smem:$0x3FB2] =	sst s9;
	s0 =	simm.s32 @!p0 $0x0  }
0x12: {  	s1 =	sld [smem:$0x3F98];
	s0 =	simm.s32 @p0 $0x1  }
0x13: {  	[smem:$0x3FB3] =	sst s0;
	s0 =	simm.s32 @!p1 $0x0  }
0x14: {  	s2 =	sld [smem:$0x3F97];
	s0 =	simm.s32 @p1 $0x1  }
0x15: {  	[smem:$0x3FB4] =	sst s0;
	s0 =	simm.s32 @!p2 $0x0  }
0x16: {  	s3 =	sld [smem:$0x3FDB];
	s0 =	simm.s32 @p2 $0x1  }
0x17: {  	s4 =	simm.s32 $0x1BF5;
	[smem:$0x3FB6] =	sst s0  }
0x18: {  	s0 =	sld [smem:$0x3F99];
	_ =	swait.ge [sflag:s4], $0x0  }
0x19: {  	s7 =	sld [smem:$0x3F9A]  }
0x1a: {  	s8 =	sadd.s32 $0xFFFFE003, lr  }
0x1b: {  	s9 =	sadd.s32 $0xFFFFFEF7, lr;
	s5 =	simm.s32 $0xFFFFFFFF;
	p2 =	slt.u32 s8, $0xFFFFF086  }
0x1c: {  	p1 =	slt.u32 s9, $0xF7A;
	s5 =	simm.s32 @!p2 $0x0  }
0x1d: {  	s5 =	simm.s32 @p1 $0x1;
	p0 =	seq.s32 s7, s2  }
0x1e: {  	s7 =	smul.u32 @!p0 $0xF7A, s2;
	p2 =	seq.s32 @!p0 s5, $0x0  }
0x1f: {  	s9 =	smul.u32 $0xF7A, s1;
	s8 =	simm.s32 @!p0 $0x1BF5;
	p2 =	por !p2, p0  }
0x20: {  	[sflag:s8] =	ssyncset.s32 @!p0 $0xFFFFF086;
	s6 =	sadd.s32 @!p0 s3, s7;
	s7 =	simm.s32 @!p0 $0x108  }
0x21: {  	s3 =	sadd.s32 s3, s9;
	s6 =	sadd.s32 @!p0 $0x88, s6;
	s7 =	simm.s32 @p2 $0x1082  }
0x22: {  	[simem:s7], [sflag:s8] =	dma.local @!p0 [hbm:s6], $0xF7A  }
0x23: {  	s9 =	sor.u32 $0xD0000000, s2;
	s6 =	simm.s32 $0x108;
	_ =	swait.ge @!p0 [sflag:s8], $0x0  }
0x24: {  	s3 =	sadd.s32 $0x88, s3;
	s6 =	simm.s32 @!p1 $0x1082;
	[sflag:s4] =	ssyncset.s32 $0xFFFFF086  }
0x25: {  	[simem:s6], [sflag:s4] =	dma.local [hbm:s3], $0xF7A  }
0x26: {  	[smem:$0x3F9A] =	sst s1;
	(tag) =	ssettag s2;
	_ =	strace s9  }
0x27: {  	s1 =	sld [smem:$0x3FAA]  }
0x28: {  	s2 =	sld [smem:$0x3FAB]  }
0x29: {  	s4 =	sld [smem:$0x3FAD]  }
0x2a: {  	p0 =	seq.s32 s5, $0x0;
	s5 =	sld [smem:$0x3FAE]  }
0x2b: {  	s6 =	sld [smem:$0x3FAF]  }
0x2c: {  	s7 =	sld [smem:$0x3FB0]  }
0x2d: {  	s3 =	simm.s32 $0x108;
	s8 =	sld [smem:$0x3FB1]  }
0x2e: {  	s3 =	simm.s32 @!p0 $0x1082;
	s9 =	sld [smem:$0x3FB2]  }
0x2f: {  	lr =	sadd.s32 s0, s3;
	s0 =	sld [smem:$0x3FA9]  }
0x30: {  	s3 =	sld [smem:$0x3FAC]  }
0x31: {  	[smem:$0x3FB5] =	sst s10  }
0x32: {  	s10 =	sld [smem:$0x3FB3];
	_ =	sdelay $0x3  }
0x33: {  	p0 =	seq.s32 s10, $0x1;
	s10 =	sld [smem:$0x3FB5];
	_ =	sdelay $0x3  }
0x34: {  	[smem:$0x3FB5] =	sst s10  }
0x35: {  	s10 =	sld [smem:$0x3FB4];
	_ =	sdelay $0x3  }
0x36: {  	p1 =	seq.s32 s10, $0x1;
	s10 =	sld [smem:$0x3FB5];
	_ =	sdelay $0x3  }
0x37: {  	[smem:$0x3FB5] =	sst s10  }
0x38: {  	s10 =	sld [smem:$0x3FB6]  }
0x39: {  	_ = 	snop;
	(pc) =	sbr.ind lr, $3  }
0x3a: {  	_ = 	snop  }
0x3b: {  	_ = 	snop  }
0x3c: {  	p2 =	seq.s32 s10, $0x1;
	s10 =	sld [smem:$0x3FB5]  }
0x3d: {  	_ =	shalt  }
0x3e: {  	_ =	shalt  }
0x3f: {  	_ =	shalt  }
0x40: {  	_ =	shalt  }
0x41: {  	_ =	shalt  }
0x42: {  	_ =	shalt  }
0x43: {  	_ =	shalt  }
0x44: {  	_ =	shalt  }
0x45: {  	_ =	shalt  }
0x46: {  	_ =	shalt  }
0x47: {  	_ =	shalt  }
0x48: {  	_ =	shalt  }
0x49: {  	_ =	shalt  }
0x4a: {  	_ =	shalt  }
0x4b: {  	_ =	shalt  }
0x4c: {  	_ =	shalt  }
0x4d: {  	_ =	shalt  }
0x4e: {  	_ =	shalt  }
0x4f: {  	_ =	shalt  }
0x50: {  	_ =	shalt  }
0x51: {  	_ =	shalt  }
0x52: {  	_ =	shalt  }
0x53: {  	_ =	shalt  }
0x54: {  	_ =	shalt  }
0x55: {  	_ =	shalt  }
0x56: {  	_ =	shalt  }
0x57: {  	_ =	shalt  }
0x58: {  	_ =	shalt  }
0x59: {  	_ =	shalt  }
0x5a: {  	_ =	shalt  }
0x5b: {  	_ =	shalt  }
0x5c: {  	_ =	shalt  }
0x5d: {  	_ =	shalt  }
0x5e: {  	_ =	shalt  }
0x5f: {  	_ =	shalt  }
0x60: {  	_ =	shalt  }
0x61: {  	_ =	shalt  }
0x62: {  	_ =	shalt  }
0x63: {  	_ =	shalt  }
0x64: {  	_ =	shalt  }
0x65: {  	_ =	shalt  }
0x66: {  	_ =	shalt  }
0x67: {  	_ =	shalt  }
0x68: {  	_ =	shalt  }
0x69: {  	_ =	shalt  }
0x6a: {  	_ =	shalt  }
0x6b: {  	_ =	shalt  }
0x6c: {  	_ =	shalt  }
0x6d: {  	_ =	shalt  }
0x6e: {  	_ =	shalt  }
0x6f: {  	_ =	shalt  }
0x70: {  	_ =	shalt  }
0x71: {  	_ =	shalt  }
0x72: {  	_ =	shalt  }
0x73: {  	_ =	shalt  }
0x74: {  	_ =	shalt  }
0x75: {  	_ =	shalt  }
0x76: {  	_ =	shalt  }
0x77: {  	_ =	shalt  }
0x78: {  	_ =	shalt  }
0x79: {  	_ =	shalt  }
0x7a: {  	_ =	shalt  }
0x7b: {  	_ =	shalt  }
0x7c: {  	_ =	shalt  }
0x7d: {  	_ =	shalt  }
0x7e: {  	_ =	shalt  }
0x7f: {  	_ =	shalt  }
0x80: {  	_ =	shalt  }
0x81: {  	_ =	shalt  }
0x82: {  	_ =	shalt  }
0x83: {  	_ =	shalt  }
0x84: {  	_ =	shalt  }
0x85: {  	_ =	shalt  }
0x86: {  	_ =	shalt  }
0x87: {  	_ =	shalt  }
.Lfunc_end0:
.L_simem_size_0:
called_computation_lowered:
.L_overlay_start_0:
0x88: {  	s2 =	sld [smem:$0x3FD9]  }
0x89: {  	s3 =	sld [smem:$0x3FFE];
	_ =	sdelay $0x1  }
0x8a: {  	s1 =	srdreg.scid  }
0x8b: {  	s0 =	sand.u32 $0x1, s1  }
0x8c: {  	s14 =	sshll.u32 s0, $0xA;
	s2 =	sadd.s32 s3, s2  }
0x8d: {  	s2 =	sadd.s32 s2, s14  }
0x8e: {  	[smem:$0x3FC1] =	sst s2  }
0x8f: {  	_ = 	snop  }
0x90: {  	s2 =	sld [smem:$0x3FD0];
	_ =	sdelay $0x2  }
0x91: {  	s15 =	simm.s32 $0xA;
	s4 =	simm.s32 $0x10  }
0x92: {  	[smem:s4], [sflag:s15] =	dma.local [hbm:s2], $0x1  }
0x93: {  	_ =	swait.eq [sflag:s15], $0x1  }
0x94: {  	[sflag:s15] =	ssyncset.done $0x0  }
0x95: {  	s16 =	sld [smem:$0x10];
	[sflag:s15] =	ssyncadd.s32 $0xFFFFFFFF  }
0x96: {  	s17 =	sld [smem:$0x11];
	(tm) =	ssettm $0x1  }
0x97: {  	s18 =	sld [smem:$0x3FFB];
	_ =	sdelay $0x3  }
0x98: {  	_ =	strace s18  }
0x99: {  	s4 =	sld [smem:$0x3FFC];
	_ =	sdelay $0x3  }
0x9a: {  	_ =	strace s4  }
0x9b: {  	s4 =	sld [smem:$0x3FFD];
	_ =	sdelay $0x3  }
0x9c: {  	_ =	strace s4  }
0x9d: {  	_ =	strace $0x8FFFFFFF  }
0x9e: {  	s19 =	sld [smem:$0x3FDB];
	_ =	sdelay $0x1  }
0x9f: {  	s5 =	simm.s32 $_scs_section_size  }
0xa0: {  	s6 =	simm.s32 $_size__tile_overlayer_lowered;
	s7 =	simm.s32 $_tile_overlayer_lowered  }
0xa1: {  	s22 =	simm.s32 $0x1BFF;
	s21 =	sshll.u32 s7, $0x1;
	s4 =	sadd.s32 s5, s19  }
0xa2: {  	s8 =	simm.s32 $0x0;
	s20 =	sshll.u32 s6, $0x1;
	s6 =	sadd.s32 s21, s4  }
0xa3: {  	[timem:s8], [sflag:s22] =	dma.local [hbm:s6], s20  }
0xa4: {  	_ =	swait.ge [sflag:s22], s20  }
0xa5: {  	s5 =	ssub.s32 $0x0, s20;
	[sflag:s22] =	ssyncset.done $0x0  }
0xa6: {  	[sflag:s22] =	ssyncadd.s32 s5;
	_ =	sdelay $0x1  }
0xa7: {  	s23 =	simm.s32 $0x1B8B  }
0xa8: {  	_ =	swait.ge [sflag:s23], $0x1  }
0xa9: {  	[sflag:s23] =	ssyncset.done $0x0  }
0xaa: {  	s25 =	simm.s32 $0x1B8E;
	s24 =	sld [smem:$0x3FFE];
	[sflag:s23] =	ssyncadd.s32 $0xFFFFFFFF  }
0xab: {  	s26 =	simm.s32 $execute0_lowered;
	[smem:$0x3FD2] =	sst s25  }
0xac: {  	s6 =	sshll.u32 s26, $0x1;
	_ =	strace $0x80000046;
	[dreg:$0x1] =	wrdreg $0xFFFFFFFF  }
0xad: {  	s28 =	simm.s32 $_size_execute0_lowered;
	s4 =	sadd.s32 s4, s6;
	[dreg:$0x0] =	wrdreg $0x0  }
0xae: {  	s6 =	sshll.u32 s28, $0x1;
	[dreg:$0x2] =	wrdreg s4  }
0xaf: {  	[dreg:$0x3] =	wrdreg s6  }
0xb0: {  	[dreg:$0x4] =	wrdreg $0xC0  }
0xb1: {  	_ =	task [dreg:s8], $0x5FFFF  }
0xb2: {  	[dreg:$0x1] =	wrdreg $0xFFFFFFFF  }
0xb3: {  	[dreg:$0x0] =	wrdreg $0x60  }
0xb4: {  	[dreg:$0x2] =	wrdreg s16  }
0xb5: {  	[dreg:$0x3] =	wrdreg s24  }
0xb6: {  	[dreg:$0x4] =	wrdreg s17  }
0xb7: {  	[dreg:$0x5] =	wrdreg $0x0  }
0xb8: {  	[dreg:$0x6] =	wrdreg $0x9  }
0xb9: {  	_ =	task.clear_ibuf [dreg:s8], $0x7FFFF;
	_ =	strace $0x90000046  }
0xba: {  	s29 =	simm.s32 $0x9;
	_ =	strace $0x80000048  }
0xbb: {  	_ =	swait.ge [sflag:s29], $0x1  }
0xbc: {  	[sflag:s29] =	ssyncadd.s32 $0xFFFFFFFF  }
0xbd: {  	_ =	strace $0x90000048  }
0xbe: {  	_ =	sfence  }
0xbf: {  	s30 =	sld [smem:$0x0];
	_ =	sdelay $0x2  }
0xc0: {  	s31 =	sshll.u32 s1, $0xD;
	s1 =	sshrl.u32 s1, $0x2  }
0xc1: {  	s3 =	sand.u32 $0x4000, s31;
	s1 =	sadd.s32 s1, s30  }
0xc2: {  	s0 =	sor.u32 s3, s0;
	s1 =	sshll.u32 s1, $0x11  }
0xc3: {  	s0 =	sor.u32 s1, s0  }
0xc4: {  	s0 =	sadd.s32 $0x8F2B, s0  }
0xc5: {  	[sflag:s0] =	ssyncadd.remote.s32 $0x1  }
0xc6: {  	_ =	sfence.sel $0xFFFF  }
0xc7: {  	[dreg:$0x0] =	wrdreg $0xFFFFFFFF;
	(pc) =	sbr.abs _section_cstart, $3  }
0xc8: {  	[dreg:$0x1] =	wrdreg $0xFFFFFFFF  }
0xc9: {  	_ =	task.clear_ibuf [dreg:s8], $0x2FFFF;
	_ =	strace $0x9FFFFFFF  }
0xca: {  	(tm) =	ssettm $0x7FFFFFFF  }
0xcb: {  	_ =	shalt  }
tec
execute0_lowered:
.L_overlay_start_1:
0x0: {  	(tag) =	ssettag $0x1  }
0x1: {  	s7 =	rddreg [dreg:$0x0]  }
0x2: {  	s4 =	rddreg [dreg:$0x1]  }
0x3: {  	s6 =	rddreg [dreg:$0x2]  }
0x4: {  	s2 =	rddreg [dreg:$0x3];
	s3 =	srdreg.scid  }
0x5: {  	s0 =	rddreg [dreg:$0x4];
	s1 =	stileid.u32;
	s13 =	simm.s32 $0x300  }
0x6: {  	s14 =	simm.s32 $0x380;
	s15 =	simm.s32 $0x0;
	s9 =	smul.u32 $0x280, s1  }
0x7: {  	s5 =	sand.u32 $0x1, s3;
	s3 =	simm.s32 $0x0;
	s12 =	smul.u32 $0x9E0, s1  }
0x8: {  	s4 =	sadd.s32 $0x2600, s4;
	s30 =	sshll.u32 s1, $0x6;
	s11 =	smul.u32 $0x2800, s5  }
0x9: {  	s8 =	ssub.s32 $0x2, s5;
	[smem:$0x7FF] =	sst s3;
	s29 =	smul.u32 $0x9E00, s5  }
0xa: {  	s5 =	sor.u32 $0x1C01, s30;
	s10 =	sshrl.u32 s8, $0x1;
	_ =	strace $0x80000047  }
0xb: {  	s28 =	sadd.s32 s9, s2;
	s8 =	ssub.s32 s8, s10;
	s9 =	sadd.s32 s9, s11  }
0xc: {  	s31 =	sadd.s32 s29, s7;
	s10 =	simm.s32 $0x1;
	s11 =	simm.s32 $0x280  }
0xd: {  	s9 =	sshrl.u32 s9, $0x3;
	s7 =	smax.u32 s8, $0x1;
	s8 =	sadd.s32 s12, s31  }
0xe: {  	v0 =	vimm.f32 $1.000000000e+00;
	s12 =	simm.s32 $0x80;
	s6 =	sadd.s32 s6, s9;
	s9 =	sshrl.u32 s28, $0x3  }
.LBB2_1:
0xf: {  	[spmem:s9], [sflag:s5] =	dma.local [hbm:s4], $0x50  }
0x10: {  	_ =	swait.ge [sflag:s10], $0x50  }
0x11: {  	[sflag:s10] =	ssyncset.done $0x0  }
0x12: {  	[sflag:s10] =	ssyncadd.s32 $0xFFFFFFB0  }
0x13: {  	[tilespmem:$0x380] =	vst v0  }
0x14: {  	[tilespmem:$0x390] =	vst v0  }
0x15: {  	[tilespmem:$0x3A0] =	vst v0  }
0x16: {  	[tilespmem:$0x3B0] =	vst v0  }
0x17: {  	[tilespmem:$0x3C0] =	vst v0  }
0x18: {  	[tilespmem:$0x3D0] =	vst v0  }
0x19: {  	[tilespmem:$0x3E0] =	vst v0  }
0x1a: {  	[tilespmem:$0x3F0] =	vst v0  }
0x1b: {  	s16 =	sadd.s32 $0x0, s8;
	[bflag:$0x0] =	sbarrier.arrive $0xFFFF  }
0x1c: {  	[tilespmem:s11], [sflag:$0x1] =	stream.linear.gather [hbm4b:s16+s3], $0x100, $0x38;
	[tilespmem:$0x400] =	vst v63  }
0x1d: {  	_ =	swait.ge [sflag:s10], $0x100  }
0x1e: {  	[sflag:s10] =	ssyncset.done $0x0  }
0x1f: {  	[sflag:s10] =	ssyncadd.s32 $0xFFFFFF00  }
0x20: {  	[spmem:s2] =	stream.indirect.scatter.add.f32 [tilespmem:s14], [sflag:$0x1], $0x1, s13, s12, $0xb8;
	[tilespmem:$0x400] =	vst v63  }
0x21: {  	_ =	swait.ge [sflag:s10], $0x80  }
0x22: {  	s17 =	simm.s32 $0x40;
	s16 =	simm.s32 $0x20;
	[sflag:s10] =	ssyncset.done $0x0  }
.LBB2_2:
0x23: {  	s18 =	sadd.s32 s16, s8  }
0x24: {  	[sflag:s10] =	ssyncadd.s32 $0xFFFFFF80;
	s16 =	smov.u32 s17;
	s19 =	sadd.s32 $0x20, s17  }
0x25: {  	[tilespmem:s11], [sflag:$0x1] =	stream.linear.gather [hbm4b:s18+s3], $0x100, $0x38;
	[tilespmem:$0x400] =	vst v63  }
0x26: {  	p0 =	sne.s32 s17, $0x9C0;
	_ =	swait.ge [sflag:s10], $0x100  }
.Ltmp0:
0x27: {  	[sflag:s10] =	ssyncset.done $0x0;
	(pc) =	sbr.rel @p0 .LBB2_2-.Ltmp0, $4  }
0x28: {  	[sflag:s10] =	ssyncadd.s32 $0xFFFFFF00  }
0x29: {  	[spmem:s2] =	stream.indirect.scatter.add.f32 [tilespmem:s14], [sflag:$0x1], $0x1, s13, s12, $0xb8;
	[tilespmem:$0x400] =	vst v63  }
0x2a: {  	_ =	swait.ge [sflag:s10], $0x80  }
0x2b: {  	s17 =	smov.u32 s19;
	[sflag:s10] =	ssyncset.done $0x0  }
0x2c: {  	s16 =	sadd.s32 s16, s8;
	[sflag:s10] =	ssyncadd.s32 $0xFFFFFF80  }
0x2d: {  	[tilespmem:s11], [sflag:$0x1] =	stream.linear.gather [hbm4b:s16+s3], $0x100, $0x38;
	[tilespmem:$0x400] =	vst v63  }
0x2e: {  	_ =	swait.ge [sflag:s10], $0x100  }
0x2f: {  	[sflag:s10] =	ssyncset.done $0x0  }
0x30: {  	[sflag:s10] =	ssyncadd.s32 $0xFFFFFF00  }
0x31: {  	[spmem:s2] =	stream.indirect.scatter.add.f32 [tilespmem:s14], [sflag:$0x1], $0x1, s13, s12, $0xb8;
	[tilespmem:$0x400] =	vst v63  }
0x32: {  	_ =	swait.ge [sflag:s10], $0x80  }
0x33: {  	s15 =	sadd.s32 $0x1, s15;
	[sflag:s10] =	ssyncset.done $0x0  }
0x34: {  	p0 =	sne.s32 s15, s7;
	[sflag:s10] =	ssyncadd.s32 $0xFFFFFF80  }
.Ltmp1:
0x35: {  	[bflag:$0x0] =	sbarrier.arrive $0xFFFF;
	(pc) =	sbr.rel @p0 .LBB2_1-.Ltmp1, $4  }
0x36: {  	[hbm:s6], [sflag:s5] =	dma.local [spmem:s9], $0x50  }
0x37: {  	_ =	swait.ge [sflag:s10], $0x50  }
0x38: {  	[sflag:s10] =	ssyncset.done $0x0  }
0x39: {  	[sflag:s10] =	ssyncadd.s32 $0xFFFFFFB0  }
0x3a: {  	_ =	sfence.sel $0x180000  }
0x3b: {  	[bflag:$0x0] =	sbarrier.arrive $0xFFFF  }
0x3c: {  	p0 =	sne.s32 s1, $0x0;
	_ =	strace $0x90000047  }
0x3d: {  	s0 =	sadd.s32 @!p0 $0x100000, s0;
	[bflag:$0x2] =	sbarrier.arrive $0xFFFF  }
0x3e: {  	[sflag:s0] =	ssyncadd.tile.s32 @!p0 $0x1;
	_ =	shalt  }
.Lfunc_end2:
_tile_overlayer_lowered:
.L_overlay_start_2:
0x3f: {  	(tag) =	ssettag $0x2  }
0x40: {  	s0 =	rddreg [dreg:$0x0];
	s2 =	stileid.u32  }
0x41: {  	s1 =	rddreg [dreg:$0x1];
	p0 =	sne.s32 s2, $0x0  }
0x42: {  	s3 =	rddreg [dreg:$0x2];
	[bflag:$0x3] =	sbarrier.arrive $0xFFFF;
	s2 =	simm.s32 @!p0 $0x1C01  }
0x43: {  	[timem:s3], [sflag:s2] =	dma.local @!p0 [hbm:s0], s1  }
0x44: {  	s0 =	simm.s32 @!p0 $0x1  }
0x45: {  	_ =	swait.ge @!p0 [sflag:s0], s1  }
0x46: {  	s1 =	ssub.s32 @!p0 $0x0, s1;
	[sflag:s0] =	ssyncset.done @!p0 $0x0  }
0x47: {  	[sflag:s0] =	ssyncadd.s32 @!p0 s1  }
0x48: {  	[bflag:$0x3] =	sbarrier.arrive $0xFFFF  }
0x49: {  	_ =	shalt  }

</sc_bundles>
